<compile_context>
chip_gen: v7x
topology: tpu7x:2x2x1
jax: 0.10.2.dev20260603
libtpu: 0.0.44.dev20260713+nightly
codegen_flags: <defaults>
</compile_context>

<pallas_src>
import functools

import jax
import jax.numpy as jnp
from jax import lax
from jax.experimental import pallas as pl
from jax.experimental.pallas import tpu as pltpu
from jax.experimental.pallas import tpu_sc as plsc

N = 10000
E = 320000
D = 128
HD = D // 2

CH = 128
NR = 10240
RPT = NR // 16

SNCH = 160
SBLK = 80
EPAD = 16 * SNCH * CH

DNW = 32
DNCH = 80

_mesh = plsc.VectorSubcoreMesh(core_axis_name="c", subcore_axis_name="s")


@functools.partial(
    pl.kernel,
    out_type=jax.ShapeDtypeStruct((2, 1, NR), jnp.float32),
    mesh=_mesh,
    compiler_params=pltpu.CompilerParams(use_tc_tiling_on_sc=False),
    scratch_types=[
        pltpu.VMEM((RPT,), jnp.float32),
        pltpu.VMEM((CH,), jnp.float32),
        pltpu.VMEM((DNCH, CH), jnp.int32),
        pltpu.VMEM_SHARED((NR,), jnp.float32),
        pltpu.SemaphoreType.DMA,
        pltpu.SemaphoreType.DMA,
    ],
)
def _deg_kernel(dst_hbm, out_hbm, zbuf, ones, dsti, acc, semi, sems):
    c = lax.axis_index("c")
    s = lax.axis_index("s")
    wid = s * 2 + c

    idx_cp = pltpu.async_copy(dst_hbm.at[wid], dsti, semi)

    def fill_z(i, _):
        zbuf[pl.ds(i * 16, 16)] = jnp.zeros((16,), jnp.float32)
        return 0

    lax.fori_loop(0, RPT // 16, fill_z, 0)

    def fill_o(i, _):
        ones[pl.ds(i * 16, 16)] = jnp.full((16,), 1.0, jnp.float32)
        return 0

    lax.fori_loop(0, CH // 16, fill_o, 0)

    pltpu.sync_copy(zbuf, acc.at[pl.ds(s * RPT, RPT)])
    idx_cp.wait()
    plsc.subcore_barrier()

    def body(j, _):
        pltpu.async_copy(ones, acc.at[dsti.at[j]], sems, add=True)
        return 0

    lax.fori_loop(0, DNCH, body, 0)

    def drain(j, _):
        pltpu.make_async_copy(ones, acc.at[dsti.at[j]], sems).wait()
        return 0

    lax.fori_loop(0, DNCH, drain, 0)
    plsc.subcore_barrier()
    pltpu.sync_copy(acc.at[pl.ds(s * RPT, RPT)],
                    out_hbm.at[c, 0, pl.ds(s * RPT, RPT)])


@functools.partial(
    pl.kernel,
    out_type=jax.ShapeDtypeStruct((2, NR, HD), jnp.float32),
    mesh=_mesh,
    compiler_params=pltpu.CompilerParams(use_tc_tiling_on_sc=False),
    scratch_types=[
        pltpu.VMEM((SBLK, CH), jnp.int32),
        pltpu.VMEM((SBLK, CH), jnp.int32),
        pltpu.VMEM((CH, HD), jnp.float32),
        pltpu.VMEM((CH, HD), jnp.float32),
        pltpu.VMEM_SHARED((NR, HD), jnp.float32),
        pltpu.VMEM_SHARED((NR, HD), jnp.float32),
        pltpu.SemaphoreType.DMA,
        pltpu.SemaphoreType.DMA,
        pltpu.SemaphoreType.DMA,
    ],
)
def _scatter_kernel(g_hbm, src_hbm, dst_hbm, out_hbm, srcb, dstb, r0, r1,
                    tab, acc, semi, sem0, sem1):
    c = lax.axis_index("c")
    s = lax.axis_index("s")

    pltpu.sync_copy(g_hbm.at[c, pl.ds(s * RPT, RPT)], tab.at[pl.ds(s * RPT, RPT)])
    pltpu.sync_copy(g_hbm.at[c, pl.ds(s * RPT, RPT)], acc.at[pl.ds(s * RPT, RPT)])
    plsc.subcore_barrier()

    def run_block(b):
        cp_s = pltpu.async_copy(src_hbm.at[s, pl.ds(b * SBLK, SBLK)], srcb, semi)
        cp_d = pltpu.async_copy(dst_hbm.at[s, pl.ds(b * SBLK, SBLK)], dstb, semi)
        cp_s.wait()
        cp_d.wait()
        pltpu.async_copy(tab.at[srcb.at[0]], r0, sem0)
        pltpu.async_copy(tab.at[srcb.at[1]], r1, sem1)

        def body(k, _):
            j = 2 * k
            pltpu.make_async_copy(tab.at[srcb.at[j]], r0, sem0).wait()
            pltpu.sync_copy(r0, acc.at[dstb.at[j]], add=True)
            pltpu.async_copy(tab.at[srcb.at[j + 2]], r0, sem0)
            pltpu.make_async_copy(tab.at[srcb.at[j + 1]], r1, sem1).wait()
            pltpu.sync_copy(r1, acc.at[dstb.at[j + 1]], add=True)
            pltpu.async_copy(tab.at[srcb.at[j + 3]], r1, sem1)
            return 0

        lax.fori_loop(0, SBLK // 2 - 1, body, 0)
        j = SBLK - 2
        pltpu.make_async_copy(tab.at[srcb.at[j]], r0, sem0).wait()
        pltpu.sync_copy(r0, acc.at[dstb.at[j]], add=True)
        pltpu.make_async_copy(tab.at[srcb.at[j + 1]], r1, sem1).wait()
        pltpu.sync_copy(r1, acc.at[dstb.at[j + 1]], add=True)

    for b in range(SNCH // SBLK):
        run_block(b)

    plsc.subcore_barrier()
    pltpu.sync_copy(acc.at[pl.ds(s * RPT, RPT)],
                    out_hbm.at[c, pl.ds(s * RPT, RPT)])


def _bnmm_body(x_ref, w_ref, gam_ref, bet_ref, out_ref):
    x = x_ref[...]
    mu = jnp.mean(x, axis=0, keepdims=True)
    xc = x - mu
    var = jnp.mean(xc * xc, axis=0, keepdims=True)
    h = xc * lax.rsqrt(var + 1e-5) * gam_ref[...] + bet_ref[...]
    out_ref[...] = jnp.dot(h, w_ref[...], preferred_element_type=jnp.float32)


def _scale_body(hw_ref, deg_ref, out_ref):
    dis = lax.rsqrt(deg_ref[...] + 1.0)
    g = hw_ref[...] * dis
    out_ref[0, :N] = g[:, :HD]
    out_ref[1, :N] = g[:, HD:]
    out_ref[0, N:] = jnp.zeros((NR - N, HD), jnp.float32)
    out_ref[1, N:] = jnp.zeros((NR - N, HD), jnp.float32)


def _mid_body(s_ref, deg_ref, b1_ref, m1_ref, gam_ref, bet_ref, w_ref,
              out_ref):
    dis = lax.rsqrt(deg_ref[...] + 1.0)
    sfull = jnp.concatenate([s_ref[0, :N], s_ref[1, :N]], axis=1)
    t = sfull * dis + b1_ref[...]
    t = jnp.maximum(t, 0.0) * m1_ref[...]
    mu = jnp.mean(t, axis=0, keepdims=True)
    tcen = t - mu
    var = jnp.mean(tcen * tcen, axis=0, keepdims=True)
    h = tcen * lax.rsqrt(var + 1e-5) * gam_ref[...] + bet_ref[...]
    hw = jnp.dot(h, w_ref[...], preferred_element_type=jnp.float32)
    g = hw * dis
    out_ref[0, :N] = g[:, :HD]
    out_ref[1, :N] = g[:, HD:]
    out_ref[0, N:] = jnp.zeros((NR - N, HD), jnp.float32)
    out_ref[1, N:] = jnp.zeros((NR - N, HD), jnp.float32)


def _fin_body(s_ref, deg_ref, b2_ref, m2_ref, out_ref):
    dis = lax.rsqrt(deg_ref[...] + 1.0)
    sfull = jnp.concatenate([s_ref[0, :N], s_ref[1, :N]], axis=1)
    t = sfull * dis + b2_ref[...]
    out_ref[...] = jnp.maximum(t, 0.0) * m2_ref[...]


def kernel(x, edge_index, W1, b1, gamma1, beta1, W2, b2, gamma2, beta2):
    ei = edge_index.astype(jnp.int32)
    pad = jnp.full((EPAD - E,), N, jnp.int32)
    srcp = jnp.concatenate([ei[0], pad])
    dstp = jnp.concatenate([ei[1], pad])
    src_s = srcp.reshape(16, SNCH, CH)
    dst_s = dstp.reshape(16, SNCH, CH)
    dst_d = dstp.reshape(DNW, DNCH, CH)

    dkey = jax.random.key(42)
    m1 = jax.random.bernoulli(jax.random.fold_in(dkey, 0), 0.5, (N, D))
    m2 = jax.random.bernoulli(jax.random.fold_in(dkey, 1), 0.5, (N, D))
    m1 = m1.astype(jnp.float32) * 2.0
    m2 = m2.astype(jnp.float32) * 2.0

    deg2 = _deg_kernel(dst_d)
    hw1 = pl.pallas_call(
        _bnmm_body,
        out_shape=jax.ShapeDtypeStruct((N, D), jnp.float32),
    )(x, W1, gamma1.reshape(1, D), beta1.reshape(1, D))
    deg = (deg2[0, 0, :N] + deg2[1, 0, :N]).reshape(N, 1)

    g1 = pl.pallas_call(
        _scale_body,
        out_shape=jax.ShapeDtypeStruct((2, NR, HD), jnp.float32),
    )(hw1, deg)

    s1 = _scatter_kernel(g1, src_s, dst_s)

    g2 = pl.pallas_call(
        _mid_body,
        out_shape=jax.ShapeDtypeStruct((2, NR, HD), jnp.float32),
    )(s1, deg, b1.reshape(1, D), m1, gamma2.reshape(1, D),
      beta2.reshape(1, D), W2)

    s2 = _scatter_kernel(g2, src_s, dst_s)

    out = pl.pallas_call(
        _fin_body,
        out_shape=jax.ShapeDtypeStruct((N, D), jnp.float32),
    )(s2, deg, b2.reshape(1, D), m2)
    return out

# --- scband reference (transcript-rebuilt; emitter-appended) ---
"""Pipeline reference for scband-net-gcn-20547123544188 (READ-ONLY COPY).

The authoritative reference and input builder live on the scoring server;
editing this copy changes nothing except your own understanding.
"""

import jax, jax.numpy as jnp
import numpy as np

N = 10000
E = 320000
D = 128


def setup_inputs(seed: int = 0) -> dict:
    key = jax.random.key(seed)
    ks = jax.random.split(key, 12)
    x = jax.random.normal(ks[0], (N, D), dtype=jnp.float32)
    edge_index = jax.random.randint(ks[1], (2, E), 0, N, dtype=jnp.int64)
    s = 1.0 / np.sqrt(D)
    W1 = jax.random.uniform(ks[2], (D, D), dtype=jnp.float32, minval=-s, maxval=s)
    b1 = jnp.zeros((D,), dtype=jnp.float32)
    gamma1 = jnp.ones((D,), dtype=jnp.float32)
    beta1 = jnp.zeros((D,), dtype=jnp.float32)
    W2 = jax.random.uniform(ks[3], (D, D), dtype=jnp.float32, minval=-s, maxval=s)
    b2 = jnp.zeros((D,), dtype=jnp.float32)
    gamma2 = jnp.ones((D,), dtype=jnp.float32)
    beta2 = jnp.zeros((D,), dtype=jnp.float32)
    return {"x": x, "edge_index": edge_index, "W1": W1, "b1": b1, "gamma1": gamma1, "beta1": beta1, "W2": W2, "b2": b2, "gamma2": gamma2, "beta2": beta2}


def _batch_norm(x, gamma, beta, eps=1e-5):
    m = jnp.mean(x, axis=0)
    v = jnp.var(x, axis=0)
    return (x - m) * jax.lax.rsqrt(v + eps) * gamma + beta


def _gcn_conv(x, edge_index, W, b, num_nodes):
    # x' = D^{-1/2} (A + I) D^{-1/2} X W + b  (PyG GCNConv with self-loops)
    loop = jnp.arange(num_nodes, dtype=edge_index.dtype)
    src = jnp.concatenate([edge_index[0], loop])
    dst = jnp.concatenate([edge_index[1], loop])
    deg = jnp.zeros((num_nodes,), dtype=x.dtype).at[dst].add(1.0)
    deg_inv_sqrt = jnp.where(deg > 0, deg ** -0.5, 0.0)
    norm = deg_inv_sqrt[src] * deg_inv_sqrt[dst]
    h = x @ W
    msg = h[src] * norm[:, None]
    out = jnp.zeros((num_nodes, W.shape[1]), dtype=x.dtype).at[dst].add(msg)
    return out + b


def _dropout(x, key, p=0.5):
    keep = jax.random.bernoulli(key, 1.0 - p, x.shape)
    return jnp.where(keep, x / (1.0 - p), 0.0)


def reference(x, edge_index, W1, b1, gamma1, beta1, W2, b2, gamma2, beta2):
    dkey = jax.random.key(42)
    # layer 1
    h = _batch_norm(x, gamma1, beta1)
    h = _gcn_conv(h, edge_index, W1, b1, N)
    h = jax.nn.relu(h)
    h = _dropout(h, jax.random.fold_in(dkey, 0))
    # layer 2
    h = _batch_norm(h, gamma2, beta2)
    h = _gcn_conv(h, edge_index, W2, b2, N)
    h = jax.nn.relu(h)
    h = _dropout(h, jax.random.fold_in(dkey, 1))
    return h

if __name__ == "__main__":
    import jax
    _d = setup_inputs()
    print(jax.jit(kernel)(*tuple(_d.values())))

</pallas_src>

<mosaic_0001>
#map = affine_map<(d0, d1) -> (0, 0, 0)>
module attributes {stable_mosaic.version = 14 : i64} {
  func.func @_scatter_kernel(%arg0: i32, %arg1: i32, %arg2: memref<2x10240x64xf32, #tpu.memory_space<hbm>>, %arg3: memref<16x160x128xi32, #tpu.memory_space<hbm>>, %arg4: memref<16x160x128xi32, #tpu.memory_space<hbm>>, %arg5: memref<2x10240x64xf32, #tpu.memory_space<hbm>>, %arg6: memref<80x128xi32, #tpu.memory_space<vmem>>, %arg7: memref<80x128xi32, #tpu.memory_space<vmem>>, %arg8: memref<128x64xf32, #tpu.memory_space<vmem>>, %arg9: memref<128x64xf32, #tpu.memory_space<vmem>>, %arg10: memref<10240x64xf32, #tpu.memory_space<vmem_shared>>, %arg11: memref<10240x64xf32, #tpu.memory_space<vmem_shared>>, %arg12: memref<!tpu.dma_semaphore, #tpu.memory_space<semaphore_mem>>, %arg13: memref<!tpu.dma_semaphore, #tpu.memory_space<semaphore_mem>>, %arg14: memref<!tpu.dma_semaphore, #tpu.memory_space<semaphore_mem>>) attributes {dimension_semantics = [#tpu.dimension_semantics<core_parallel>, #tpu.dimension_semantics<subcore_parallel>], iteration_bounds = array<i64: 2, 16>, scalar_prefetch = 0 : i64, scratch_operands = 9 : i64, tpu.core_type = #tpu.core_type<sc_vector_subcore>, window_params = [{transform_indices = #map}, {transform_indices = #map}, {transform_indices = #map}, {transform_indices = #map}]} {
    %mul3A = arith.constant 640 : i32
    %mul3A_0 = arith.muli %arg1, %mul3A : i32
    %mul3A_1 = arith.constant 640 : i32
    %mul3A_2 = arith.muli %arg1, %mul3A_1 : i32
    "tpu.region"() ({
      %run_scoped3A_146 = tpu.sem_alloc : memref<!tpu.dma_semaphore, #tpu.memory_space<semaphore_mem>>
      %dma_start3A_147 = arith.constant 0 : i32
      %dma_start3A_148 = tpu.memref_slice %arg10[%mul3A_2, %dma_start3A_147] : memref<10240x64xf32, #tpu.memory_space<vmem_shared>> -> memref<640x64xf32, #tpu.memory_space<vmem_shared>>
      %dma_start3A_149 = arith.constant 0 : i32
      %dma_start3A_150 = tpu.memref_slice %arg2[%arg0, %mul3A_0, %dma_start3A_149] : memref<2x10240x64xf32, #tpu.memory_space<hbm>> -> memref<1x640x64xf32, #tpu.memory_space<hbm>>
      %dma_start3A_151 = tpu.memref_squeeze %dma_start3A_150 : memref<1x640x64xf32, #tpu.memory_space<hbm>> -> memref<640x64xf32, #tpu.memory_space<hbm>>
      tpu.enqueue_dma source(%dma_start3A_151 : memref<640x64xf32, #tpu.memory_space<hbm>>) target(%dma_start3A_148 : memref<640x64xf32, #tpu.memory_space<vmem_shared>>) target_semaphore(%run_scoped3A_146 : memref<!tpu.dma_semaphore, #tpu.memory_space<semaphore_mem>>)
      %dma_wait3A_152 = arith.constant 0 : i32
      %dma_wait3A_153 = tpu.memref_slice %arg10[%mul3A_2, %dma_wait3A_152] : memref<10240x64xf32, #tpu.memory_space<vmem_shared>> -> memref<640x64xf32, #tpu.memory_space<vmem_shared>>
      %dma_wait3A_154 = arith.constant 0 : i32
      %dma_wait3A_155 = tpu.memref_slice %arg2[%arg0, %mul3A_0, %dma_wait3A_154] : memref<2x10240x64xf32, #tpu.memory_space<hbm>> -> memref<1x640x64xf32, #tpu.memory_space<hbm>>
      %dma_wait3A_156 = tpu.memref_squeeze %dma_wait3A_155 : memref<1x640x64xf32, #tpu.memory_space<hbm>> -> memref<640x64xf32, #tpu.memory_space<hbm>>
      tpu.wait_dma2 semaphore(%run_scoped3A_146 : memref<!tpu.dma_semaphore, #tpu.memory_space<semaphore_mem>>) src(%dma_wait3A_156 : memref<640x64xf32, #tpu.memory_space<hbm>>) dst(%dma_wait3A_153 : memref<640x64xf32, #tpu.memory_space<vmem_shared>>)
      tpu.yield
    }) : () -> ()
    %mul3A_3 = arith.constant 640 : i32
    %mul3A_4 = arith.muli %arg1, %mul3A_3 : i32
    %mul3A_5 = arith.constant 640 : i32
    %mul3A_6 = arith.muli %arg1, %mul3A_5 : i32
    "tpu.region"() ({
      %run_scoped3A_146 = tpu.sem_alloc : memref<!tpu.dma_semaphore, #tpu.memory_space<semaphore_mem>>
      %dma_start3A_147 = arith.constant 0 : i32
      %dma_start3A_148 = tpu.memref_slice %arg11[%mul3A_6, %dma_start3A_147] : memref<10240x64xf32, #tpu.memory_space<vmem_shared>> -> memref<640x64xf32, #tpu.memory_space<vmem_shared>>
      %dma_start3A_149 = arith.constant 0 : i32
      %dma_start3A_150 = tpu.memref_slice %arg2[%arg0, %mul3A_4, %dma_start3A_149] : memref<2x10240x64xf32, #tpu.memory_space<hbm>> -> memref<1x640x64xf32, #tpu.memory_space<hbm>>
      %dma_start3A_151 = tpu.memref_squeeze %dma_start3A_150 : memref<1x640x64xf32, #tpu.memory_space<hbm>> -> memref<640x64xf32, #tpu.memory_space<hbm>>
      tpu.enqueue_dma source(%dma_start3A_151 : memref<640x64xf32, #tpu.memory_space<hbm>>) target(%dma_start3A_148 : memref<640x64xf32, #tpu.memory_space<vmem_shared>>) target_semaphore(%run_scoped3A_146 : memref<!tpu.dma_semaphore, #tpu.memory_space<semaphore_mem>>)
      %dma_wait3A_152 = arith.constant 0 : i32
      %dma_wait3A_153 = tpu.memref_slice %arg11[%mul3A_6, %dma_wait3A_152] : memref<10240x64xf32, #tpu.memory_space<vmem_shared>> -> memref<640x64xf32, #tpu.memory_space<vmem_shared>>
      %dma_wait3A_154 = arith.constant 0 : i32
      %dma_wait3A_155 = tpu.memref_slice %arg2[%arg0, %mul3A_4, %dma_wait3A_154] : memref<2x10240x64xf32, #tpu.memory_space<hbm>> -> memref<1x640x64xf32, #tpu.memory_space<hbm>>
      %dma_wait3A_156 = tpu.memref_squeeze %dma_wait3A_155 : memref<1x640x64xf32, #tpu.memory_space<hbm>> -> memref<640x64xf32, #tpu.memory_space<hbm>>
      tpu.wait_dma2 semaphore(%run_scoped3A_146 : memref<!tpu.dma_semaphore, #tpu.memory_space<semaphore_mem>>) src(%dma_wait3A_156 : memref<640x64xf32, #tpu.memory_space<hbm>>) dst(%dma_wait3A_153 : memref<640x64xf32, #tpu.memory_space<vmem_shared>>)
      tpu.yield
    }) : () -> ()
    %barrier3A = arith.constant 0 : index
    tpu.barrier barrier_id(%barrier3A)
    %dma_start3A = arith.constant 0 : i32
    %dma_start3A_7 = arith.constant 0 : i32
    %dma_start3A_8 = tpu.memref_slice %arg3[%arg1, %dma_start3A, %dma_start3A_7] : memref<16x160x128xi32, #tpu.memory_space<hbm>> -> memref<1x80x128xi32, #tpu.memory_space<hbm>>
    %dma_start3A_9 = tpu.memref_squeeze %dma_start3A_8 : memref<1x80x128xi32, #tpu.memory_space<hbm>> -> memref<80x128xi32, #tpu.memory_space<hbm>>
    %dma_start3A_10 = arith.constant 0 : i32
    %dma_start3A_11 = arith.constant 0 : i32
    %dma_start3A_12 = tpu.memref_slice %arg3[%arg1, %dma_start3A_10, %dma_start3A_11] : memref<16x160x128xi32, #tpu.memory_space<hbm>> -> memref<1x80x128xi32, #tpu.memory_space<hbm>>
    %dma_start3A_13 = tpu.memref_squeeze %dma_start3A_12 : memref<1x80x128xi32, #tpu.memory_space<hbm>> -> memref<80x128xi32, #tpu.memory_space<hbm>>
    tpu.enqueue_dma source(%dma_start3A_13 : memref<80x128xi32, #tpu.memory_space<hbm>>) target(%arg6 : memref<80x128xi32, #tpu.memory_space<vmem>>) target_semaphore(%arg12 : memref<!tpu.dma_semaphore, #tpu.memory_space<semaphore_mem>>)
    %dma_start3A_14 = arith.constant 0 : i32
    %dma_start3A_15 = arith.constant 0 : i32
    %dma_start3A_16 = tpu.memref_slice %arg4[%arg1, %dma_start3A_14, %dma_start3A_15] : memref<16x160x128xi32, #tpu.memory_space<hbm>> -> memref<1x80x128xi32, #tpu.memory_space<hbm>>
    %dma_start3A_17 = tpu.memref_squeeze %dma_start3A_16 : memref<1x80x128xi32, #tpu.memory_space<hbm>> -> memref<80x128xi32, #tpu.memory_space<hbm>>
    %dma_start3A_18 = arith.constant 0 : i32
    %dma_start3A_19 = arith.constant 0 : i32
    %dma_start3A_20 = tpu.memref_slice %arg4[%arg1, %dma_start3A_18, %dma_start3A_19] : memref<16x160x128xi32, #tpu.memory_space<hbm>> -> memref<1x80x128xi32, #tpu.memory_space<hbm>>
    %dma_start3A_21 = tpu.memref_squeeze %dma_start3A_20 : memref<1x80x128xi32, #tpu.memory_space<hbm>> -> memref<80x128xi32, #tpu.memory_space<hbm>>
    tpu.enqueue_dma source(%dma_start3A_21 : memref<80x128xi32, #tpu.memory_space<hbm>>) target(%arg7 : memref<80x128xi32, #tpu.memory_space<vmem>>) target_semaphore(%arg12 : memref<!tpu.dma_semaphore, #tpu.memory_space<semaphore_mem>>)
    %dma_wait3A = arith.constant 0 : i32
    %dma_wait3A_22 = arith.constant 0 : i32
    %dma_wait3A_23 = tpu.memref_slice %arg3[%arg1, %dma_wait3A, %dma_wait3A_22] : memref<16x160x128xi32, #tpu.memory_space<hbm>> -> memref<1x80x128xi32, #tpu.memory_space<hbm>>
    %dma_wait3A_24 = tpu.memref_squeeze %dma_wait3A_23 : memref<1x80x128xi32, #tpu.memory_space<hbm>> -> memref<80x128xi32, #tpu.memory_space<hbm>>
    %dma_wait3A_25 = arith.constant 0 : i32
    %dma_wait3A_26 = arith.constant 0 : i32
    %dma_wait3A_27 = tpu.memref_slice %arg3[%arg1, %dma_wait3A_25, %dma_wait3A_26] : memref<16x160x128xi32, #tpu.memory_space<hbm>> -> memref<1x80x128xi32, #tpu.memory_space<hbm>>
    %dma_wait3A_28 = tpu.memref_squeeze %dma_wait3A_27 : memref<1x80x128xi32, #tpu.memory_space<hbm>> -> memref<80x128xi32, #tpu.memory_space<hbm>>
    tpu.wait_dma2 semaphore(%arg12 : memref<!tpu.dma_semaphore, #tpu.memory_space<semaphore_mem>>) src(%dma_wait3A_28 : memref<80x128xi32, #tpu.memory_space<hbm>>) dst(%arg6 : memref<80x128xi32, #tpu.memory_space<vmem>>)
    %dma_wait3A_29 = arith.constant 0 : i32
    %dma_wait3A_30 = arith.constant 0 : i32
    %dma_wait3A_31 = tpu.memref_slice %arg4[%arg1, %dma_wait3A_29, %dma_wait3A_30] : memref<16x160x128xi32, #tpu.memory_space<hbm>> -> memref<1x80x128xi32, #tpu.memory_space<hbm>>
    %dma_wait3A_32 = tpu.memref_squeeze %dma_wait3A_31 : memref<1x80x128xi32, #tpu.memory_space<hbm>> -> memref<80x128xi32, #tpu.memory_space<hbm>>
    %dma_wait3A_33 = arith.constant 0 : i32
    %dma_wait3A_34 = arith.constant 0 : i32
    %dma_wait3A_35 = tpu.memref_slice %arg4[%arg1, %dma_wait3A_33, %dma_wait3A_34] : memref<16x160x128xi32, #tpu.memory_space<hbm>> -> memref<1x80x128xi32, #tpu.memory_space<hbm>>
    %dma_wait3A_36 = tpu.memref_squeeze %dma_wait3A_35 : memref<1x80x128xi32, #tpu.memory_space<hbm>> -> memref<80x128xi32, #tpu.memory_space<hbm>>
    tpu.wait_dma2 semaphore(%arg12 : memref<!tpu.dma_semaphore, #tpu.memory_space<semaphore_mem>>) src(%dma_wait3A_36 : memref<80x128xi32, #tpu.memory_space<hbm>>) dst(%arg7 : memref<80x128xi32, #tpu.memory_space<vmem>>)
    %dma_start3A_37 = arith.constant 0 : i32
    %dma_start3A_38 = arith.constant 0 : i32
    %dma_start3A_39 = tpu.memref_slice %arg6[%dma_start3A_37, %dma_start3A_38] : memref<80x128xi32, #tpu.memory_space<vmem>> -> memref<1x128xi32, #tpu.memory_space<vmem>>
    %dma_start3A_40 = tpu.memref_squeeze %dma_start3A_39 : memref<1x128xi32, #tpu.memory_space<vmem>> -> memref<128xi32, #tpu.memory_space<vmem>>
    %dma_start3A_41 = arith.constant 0 : i32
    %dma_start3A_42 = arith.constant 0 : i32
    %dma_start3A_43 = tpu.memref_slice %arg10[%dma_start3A_41, %dma_start3A_42] : memref<10240x64xf32, #tpu.memory_space<vmem_shared>> -> memref<10240x64xf32, #tpu.memory_space<vmem_shared>>
    tpu.enqueue_indirect_dma source(%dma_start3A_43 : memref<10240x64xf32, #tpu.memory_space<vmem_shared>>) target(%arg8 : memref<128x64xf32, #tpu.memory_space<vmem>>) offsets(%dma_start3A_40 : memref<128xi32, #tpu.memory_space<vmem>>) semaphore(%arg13 : memref<!tpu.dma_semaphore, #tpu.memory_space<semaphore_mem>>)
    %dma_start3A_44 = arith.constant 1 : i32
    %dma_start3A_45 = arith.constant 0 : i32
    %dma_start3A_46 = tpu.memref_slice %arg6[%dma_start3A_44, %dma_start3A_45] : memref<80x128xi32, #tpu.memory_space<vmem>> -> memref<1x128xi32, #tpu.memory_space<vmem>>
    %dma_start3A_47 = tpu.memref_squeeze %dma_start3A_46 : memref<1x128xi32, #tpu.memory_space<vmem>> -> memref<128xi32, #tpu.memory_space<vmem>>
    %dma_start3A_48 = arith.constant 0 : i32
    %dma_start3A_49 = arith.constant 0 : i32
    %dma_start3A_50 = tpu.memref_slice %arg10[%dma_start3A_48, %dma_start3A_49] : memref<10240x64xf32, #tpu.memory_space<vmem_shared>> -> memref<10240x64xf32, #tpu.memory_space<vmem_shared>>
    tpu.enqueue_indirect_dma source(%dma_start3A_50 : memref<10240x64xf32, #tpu.memory_space<vmem_shared>>) target(%arg9 : memref<128x64xf32, #tpu.memory_space<vmem>>) offsets(%dma_start3A_47 : memref<128xi32, #tpu.memory_space<vmem>>) semaphore(%arg14 : memref<!tpu.dma_semaphore, #tpu.memory_space<semaphore_mem>>)
    %scan3A = arith.constant 0 : i32
    %scan3A_51 = arith.constant 0 : i32
    %scan3A_52 = arith.constant 39 : i32
    %scan3A_53 = arith.addi %scan3A_51, %scan3A_52 : i32
    %scan3A_54 = arith.constant 1 : i32
    %scan3A_55 = scf.for %scan3A_146 = %scan3A_51 to %scan3A_53 step %scan3A_54 iter_args(%scan3A_147 = %scan3A) -> (i32)  : i32 {
      %mul3A_148 = arith.constant 2 : i32
      %mul3A_149 = arith.muli %mul3A_148, %scan3A_146 : i32
      %dma_wait3A_150 = arith.constant 0 : i32
      %dma_wait3A_151 = tpu.memref_slice %arg6[%mul3A_149, %dma_wait3A_150] : memref<80x128xi32, #tpu.memory_space<vmem>> -> memref<1x128xi32, #tpu.memory_space<vmem>>
      %dma_wait3A_152 = tpu.memref_squeeze %dma_wait3A_151 : memref<1x128xi32, #tpu.memory_space<vmem>> -> memref<128xi32, #tpu.memory_space<vmem>>
      %dma_wait3A_153 = arith.constant 0 : i32
      %dma_wait3A_154 = arith.constant 0 : i32
      %dma_wait3A_155 = tpu.memref_slice %arg10[%dma_wait3A_153, %dma_wait3A_154] : memref<10240x64xf32, #tpu.memory_space<vmem_shared>> -> memref<10240x64xf32, #tpu.memory_space<vmem_shared>>
      tpu.wait_indirect_dma semaphore(%arg13 : memref<!tpu.dma_semaphore, #tpu.memory_space<semaphore_mem>>) src(%dma_wait3A_155 : memref<10240x64xf32, #tpu.memory_space<vmem_shared>>) dst(%arg8 : memref<128x64xf32, #tpu.memory_space<vmem>>)
      "tpu.region"() ({
        %run_scoped3A_182 = tpu.sem_alloc : memref<!tpu.dma_semaphore, #tpu.memory_space<semaphore_mem>>
        %dma_start3A_183 = arith.constant 0 : i32
        %dma_start3A_184 = tpu.memref_slice %arg7[%mul3A_149, %dma_start3A_183] : memref<80x128xi32, #tpu.memory_space<vmem>> -> memref<1x128xi32, #tpu.memory_space<vmem>>
        %dma_start3A_185 = tpu.memref_squeeze %dma_start3A_184 : memref<1x128xi32, #tpu.memory_space<vmem>> -> memref<128xi32, #tpu.memory_space<vmem>>
        %dma_start3A_186 = arith.constant 0 : i32
        %dma_start3A_187 = arith.constant 0 : i32
        %dma_start3A_188 = tpu.memref_slice %arg11[%dma_start3A_186, %dma_start3A_187] : memref<10240x64xf32, #tpu.memory_space<vmem_shared>> -> memref<10240x64xf32, #tpu.memory_space<vmem_shared>>
        tpu.enqueue_indirect_dma source(%arg8 : memref<128x64xf32, #tpu.memory_space<vmem>>) target(%dma_start3A_188 : memref<10240x64xf32, #tpu.memory_space<vmem_shared>>) offsets(%dma_start3A_185 : memref<128xi32, #tpu.memory_space<vmem>>) semaphore(%run_scoped3A_182 : memref<!tpu.dma_semaphore, #tpu.memory_space<semaphore_mem>>) {add = true}
        %dma_wait3A_189 = arith.constant 0 : i32
        %dma_wait3A_190 = tpu.memref_slice %arg7[%mul3A_149, %dma_wait3A_189] : memref<80x128xi32, #tpu.memory_space<vmem>> -> memref<1x128xi32, #tpu.memory_space<vmem>>
        %dma_wait3A_191 = tpu.memref_squeeze %dma_wait3A_190 : memref<1x128xi32, #tpu.memory_space<vmem>> -> memref<128xi32, #tpu.memory_space<vmem>>
        %dma_wait3A_192 = arith.constant 0 : i32
        %dma_wait3A_193 = arith.constant 0 : i32
        %dma_wait3A_194 = tpu.memref_slice %arg11[%dma_wait3A_192, %dma_wait3A_193] : memref<10240x64xf32, #tpu.memory_space<vmem_shared>> -> memref<10240x64xf32, #tpu.memory_space<vmem_shared>>
        tpu.wait_indirect_dma semaphore(%run_scoped3A_182 : memref<!tpu.dma_semaphore, #tpu.memory_space<semaphore_mem>>) src(%arg8 : memref<128x64xf32, #tpu.memory_space<vmem>>) dst(%dma_wait3A_194 : memref<10240x64xf32, #tpu.memory_space<vmem_shared>>)
        tpu.yield
      }) : () -> ()
      %add3A = arith.constant 2 : i32
      %add3A_156 = arith.addi %mul3A_149, %add3A : i32
      %dma_start3A_157 = arith.constant 0 : i32
      %dma_start3A_158 = tpu.memref_slice %arg6[%add3A_156, %dma_start3A_157] : memref<80x128xi32, #tpu.memory_space<vmem>> -> memref<1x128xi32, #tpu.memory_space<vmem>>
      %dma_start3A_159 = tpu.memref_squeeze %dma_start3A_158 : memref<1x128xi32, #tpu.memory_space<vmem>> -> memref<128xi32, #tpu.memory_space<vmem>>
      %dma_start3A_160 = arith.constant 0 : i32
      %dma_start3A_161 = arith.constant 0 : i32
      %dma_start3A_162 = tpu.memref_slice %arg10[%dma_start3A_160, %dma_start3A_161] : memref<10240x64xf32, #tpu.memory_space<vmem_shared>> -> memref<10240x64xf32, #tpu.memory_space<vmem_shared>>
      tpu.enqueue_indirect_dma source(%dma_start3A_162 : memref<10240x64xf32, #tpu.memory_space<vmem_shared>>) target(%arg8 : memref<128x64xf32, #tpu.memory_space<vmem>>) offsets(%dma_start3A_159 : memref<128xi32, #tpu.memory_space<vmem>>) semaphore(%arg13 : memref<!tpu.dma_semaphore, #tpu.memory_space<semaphore_mem>>)
      %add3A_163 = arith.constant 1 : i32
      %add3A_164 = arith.addi %mul3A_149, %add3A_163 : i32
      %dma_wait3A_165 = arith.constant 0 : i32
      %dma_wait3A_166 = tpu.memref_slice %arg6[%add3A_164, %dma_wait3A_165] : memref<80x128xi32, #tpu.memory_space<vmem>> -> memref<1x128xi32, #tpu.memory_space<vmem>>
      %dma_wait3A_167 = tpu.memref_squeeze %dma_wait3A_166 : memref<1x128xi32, #tpu.memory_space<vmem>> -> memref<128xi32, #tpu.memory_space<vmem>>
      %dma_wait3A_168 = arith.constant 0 : i32
      %dma_wait3A_169 = arith.constant 0 : i32
      %dma_wait3A_170 = tpu.memref_slice %arg10[%dma_wait3A_168, %dma_wait3A_169] : memref<10240x64xf32, #tpu.memory_space<vmem_shared>> -> memref<10240x64xf32, #tpu.memory_space<vmem_shared>>
      tpu.wait_indirect_dma semaphore(%arg14 : memref<!tpu.dma_semaphore, #tpu.memory_space<semaphore_mem>>) src(%dma_wait3A_170 : memref<10240x64xf32, #tpu.memory_space<vmem_shared>>) dst(%arg9 : memref<128x64xf32, #tpu.memory_space<vmem>>)
      %add3A_171 = arith.constant 1 : i32
      %add3A_172 = arith.addi %mul3A_149, %add3A_171 : i32
      "tpu.region"() ({
        %run_scoped3A_182 = tpu.sem_alloc : memref<!tpu.dma_semaphore, #tpu.memory_space<semaphore_mem>>
        %dma_start3A_183 = arith.constant 0 : i32
        %dma_start3A_184 = tpu.memref_slice %arg7[%add3A_172, %dma_start3A_183] : memref<80x128xi32, #tpu.memory_space<vmem>> -> memref<1x128xi32, #tpu.memory_space<vmem>>
        %dma_start3A_185 = tpu.memref_squeeze %dma_start3A_184 : memref<1x128xi32, #tpu.memory_space<vmem>> -> memref<128xi32, #tpu.memory_space<vmem>>
        %dma_start3A_186 = arith.constant 0 : i32
        %dma_start3A_187 = arith.constant 0 : i32
        %dma_start3A_188 = tpu.memref_slice %arg11[%dma_start3A_186, %dma_start3A_187] : memref<10240x64xf32, #tpu.memory_space<vmem_shared>> -> memref<10240x64xf32, #tpu.memory_space<vmem_shared>>
        tpu.enqueue_indirect_dma source(%arg9 : memref<128x64xf32, #tpu.memory_space<vmem>>) target(%dma_start3A_188 : memref<10240x64xf32, #tpu.memory_space<vmem_shared>>) offsets(%dma_start3A_185 : memref<128xi32, #tpu.memory_space<vmem>>) semaphore(%run_scoped3A_182 : memref<!tpu.dma_semaphore, #tpu.memory_space<semaphore_mem>>) {add = true}
        %dma_wait3A_189 = arith.constant 0 : i32
        %dma_wait3A_190 = tpu.memref_slice %arg7[%add3A_172, %dma_wait3A_189] : memref<80x128xi32, #tpu.memory_space<vmem>> -> memref<1x128xi32, #tpu.memory_space<vmem>>
        %dma_wait3A_191 = tpu.memref_squeeze %dma_wait3A_190 : memref<1x128xi32, #tpu.memory_space<vmem>> -> memref<128xi32, #tpu.memory_space<vmem>>
        %dma_wait3A_192 = arith.constant 0 : i32
        %dma_wait3A_193 = arith.constant 0 : i32
        %dma_wait3A_194 = tpu.memref_slice %arg11[%dma_wait3A_192, %dma_wait3A_193] : memref<10240x64xf32, #tpu.memory_space<vmem_shared>> -> memref<10240x64xf32, #tpu.memory_space<vmem_shared>>
        tpu.wait_indirect_dma semaphore(%run_scoped3A_182 : memref<!tpu.dma_semaphore, #tpu.memory_space<semaphore_mem>>) src(%arg9 : memref<128x64xf32, #tpu.memory_space<vmem>>) dst(%dma_wait3A_194 : memref<10240x64xf32, #tpu.memory_space<vmem_shared>>)
        tpu.yield
      }) : () -> ()
      %add3A_173 = arith.constant 3 : i32
      %add3A_174 = arith.addi %mul3A_149, %add3A_173 : i32
      %dma_start3A_175 = arith.constant 0 : i32
      %dma_start3A_176 = tpu.memref_slice %arg6[%add3A_174, %dma_start3A_175] : memref<80x128xi32, #tpu.memory_space<vmem>> -> memref<1x128xi32, #tpu.memory_space<vmem>>
      %dma_start3A_177 = tpu.memref_squeeze %dma_start3A_176 : memref<1x128xi32, #tpu.memory_space<vmem>> -> memref<128xi32, #tpu.memory_space<vmem>>
      %dma_start3A_178 = arith.constant 0 : i32
      %dma_start3A_179 = arith.constant 0 : i32
      %dma_start3A_180 = tpu.memref_slice %arg10[%dma_start3A_178, %dma_start3A_179] : memref<10240x64xf32, #tpu.memory_space<vmem_shared>> -> memref<10240x64xf32, #tpu.memory_space<vmem_shared>>
      tpu.enqueue_indirect_dma source(%dma_start3A_180 : memref<10240x64xf32, #tpu.memory_space<vmem_shared>>) target(%arg9 : memref<128x64xf32, #tpu.memory_space<vmem>>) offsets(%dma_start3A_177 : memref<128xi32, #tpu.memory_space<vmem>>) semaphore(%arg14 : memref<!tpu.dma_semaphore, #tpu.memory_space<semaphore_mem>>)
      %scan3A_181 = arith.constant 0 : i32
      scf.yield %scan3A_181 : i32
    }
    %scan3A_56 = arith.constant 39 : i32
    %dma_wait3A_57 = arith.constant 78 : i32
    %dma_wait3A_58 = arith.constant 0 : i32
    %dma_wait3A_59 = tpu.memref_slice %arg6[%dma_wait3A_57, %dma_wait3A_58] : memref<80x128xi32, #tpu.memory_space<vmem>> -> memref<1x128xi32, #tpu.memory_space<vmem>>
    %dma_wait3A_60 = tpu.memref_squeeze %dma_wait3A_59 : memref<1x128xi32, #tpu.memory_space<vmem>> -> memref<128xi32, #tpu.memory_space<vmem>>
    %dma_wait3A_61 = arith.constant 0 : i32
    %dma_wait3A_62 = arith.constant 0 : i32
    %dma_wait3A_63 = tpu.memref_slice %arg10[%dma_wait3A_61, %dma_wait3A_62] : memref<10240x64xf32, #tpu.memory_space<vmem_shared>> -> memref<10240x64xf32, #tpu.memory_space<vmem_shared>>
    tpu.wait_indirect_dma semaphore(%arg13 : memref<!tpu.dma_semaphore, #tpu.memory_space<semaphore_mem>>) src(%dma_wait3A_63 : memref<10240x64xf32, #tpu.memory_space<vmem_shared>>) dst(%arg8 : memref<128x64xf32, #tpu.memory_space<vmem>>)
    %run_scoped3A = arith.constant 78 : i32
    "tpu.region"() ({
      %run_scoped3A_146 = tpu.sem_alloc : memref<!tpu.dma_semaphore, #tpu.memory_space<semaphore_mem>>
      %dma_start3A_147 = arith.constant 0 : i32
      %dma_start3A_148 = tpu.memref_slice %arg7[%run_scoped3A, %dma_start3A_147] : memref<80x128xi32, #tpu.memory_space<vmem>> -> memref<1x128xi32, #tpu.memory_space<vmem>>
      %dma_start3A_149 = tpu.memref_squeeze %dma_start3A_148 : memref<1x128xi32, #tpu.memory_space<vmem>> -> memref<128xi32, #tpu.memory_space<vmem>>
      %dma_start3A_150 = arith.constant 0 : i32
      %dma_start3A_151 = arith.constant 0 : i32
      %dma_start3A_152 = tpu.memref_slice %arg11[%dma_start3A_150, %dma_start3A_151] : memref<10240x64xf32, #tpu.memory_space<vmem_shared>> -> memref<10240x64xf32, #tpu.memory_space<vmem_shared>>
      tpu.enqueue_indirect_dma source(%arg8 : memref<128x64xf32, #tpu.memory_space<vmem>>) target(%dma_start3A_152 : memref<10240x64xf32, #tpu.memory_space<vmem_shared>>) offsets(%dma_start3A_149 : memref<128xi32, #tpu.memory_space<vmem>>) semaphore(%run_scoped3A_146 : memref<!tpu.dma_semaphore, #tpu.memory_space<semaphore_mem>>) {add = true}
      %dma_wait3A_153 = arith.constant 0 : i32
      %dma_wait3A_154 = tpu.memref_slice %arg7[%run_scoped3A, %dma_wait3A_153] : memref<80x128xi32, #tpu.memory_space<vmem>> -> memref<1x128xi32, #tpu.memory_space<vmem>>
      %dma_wait3A_155 = tpu.memref_squeeze %dma_wait3A_154 : memref<1x128xi32, #tpu.memory_space<vmem>> -> memref<128xi32, #tpu.memory_space<vmem>>
      %dma_wait3A_156 = arith.constant 0 : i32
      %dma_wait3A_157 = arith.constant 0 : i32
      %dma_wait3A_158 = tpu.memref_slice %arg11[%dma_wait3A_156, %dma_wait3A_157] : memref<10240x64xf32, #tpu.memory_space<vmem_shared>> -> memref<10240x64xf32, #tpu.memory_space<vmem_shared>>
      tpu.wait_indirect_dma semaphore(%run_scoped3A_146 : memref<!tpu.dma_semaphore, #tpu.memory_space<semaphore_mem>>) src(%arg8 : memref<128x64xf32, #tpu.memory_space<vmem>>) dst(%dma_wait3A_158 : memref<10240x64xf32, #tpu.memory_space<vmem_shared>>)
      tpu.yield
    }) : () -> ()
    %dma_wait3A_64 = arith.constant 79 : i32
    %dma_wait3A_65 = arith.constant 0 : i32
    %dma_wait3A_66 = tpu.memref_slice %arg6[%dma_wait3A_64, %dma_wait3A_65] : memref<80x128xi32, #tpu.memory_space<vmem>> -> memref<1x128xi32, #tpu.memory_space<vmem>>
    %dma_wait3A_67 = tpu.memref_squeeze %dma_wait3A_66 : memref<1x128xi32, #tpu.memory_space<vmem>> -> memref<128xi32, #tpu.memory_space<vmem>>
    %dma_wait3A_68 = arith.constant 0 : i32
    %dma_wait3A_69 = arith.constant 0 : i32
    %dma_wait3A_70 = tpu.memref_slice %arg10[%dma_wait3A_68, %dma_wait3A_69] : memref<10240x64xf32, #tpu.memory_space<vmem_shared>> -> memref<10240x64xf32, #tpu.memory_space<vmem_shared>>
    tpu.wait_indirect_dma semaphore(%arg14 : memref<!tpu.dma_semaphore, #tpu.memory_space<semaphore_mem>>) src(%dma_wait3A_70 : memref<10240x64xf32, #tpu.memory_space<vmem_shared>>) dst(%arg9 : memref<128x64xf32, #tpu.memory_space<vmem>>)
    %run_scoped3A_71 = arith.constant 79 : i32
    "tpu.region"() ({
      %run_scoped3A_146 = tpu.sem_alloc : memref<!tpu.dma_semaphore, #tpu.memory_space<semaphore_mem>>
      %dma_start3A_147 = arith.constant 0 : i32
      %dma_start3A_148 = tpu.memref_slice %arg7[%run_scoped3A_71, %dma_start3A_147] : memref<80x128xi32, #tpu.memory_space<vmem>> -> memref<1x128xi32, #tpu.memory_space<vmem>>
      %dma_start3A_149 = tpu.memref_squeeze %dma_start3A_148 : memref<1x128xi32, #tpu.memory_space<vmem>> -> memref<128xi32, #tpu.memory_space<vmem>>
      %dma_start3A_150 = arith.constant 0 : i32
      %dma_start3A_151 = arith.constant 0 : i32
      %dma_start3A_152 = tpu.memref_slice %arg11[%dma_start3A_150, %dma_start3A_151] : memref<10240x64xf32, #tpu.memory_space<vmem_shared>> -> memref<10240x64xf32, #tpu.memory_space<vmem_shared>>
      tpu.enqueue_indirect_dma source(%arg9 : memref<128x64xf32, #tpu.memory_space<vmem>>) target(%dma_start3A_152 : memref<10240x64xf32, #tpu.memory_space<vmem_shared>>) offsets(%dma_start3A_149 : memref<128xi32, #tpu.memory_space<vmem>>) semaphore(%run_scoped3A_146 : memref<!tpu.dma_semaphore, #tpu.memory_space<semaphore_mem>>) {add = true}
      %dma_wait3A_153 = arith.constant 0 : i32
      %dma_wait3A_154 = tpu.memref_slice %arg7[%run_scoped3A_71, %dma_wait3A_153] : memref<80x128xi32, #tpu.memory_space<vmem>> -> memref<1x128xi32, #tpu.memory_space<vmem>>
      %dma_wait3A_155 = tpu.memref_squeeze %dma_wait3A_154 : memref<1x128xi32, #tpu.memory_space<vmem>> -> memref<128xi32, #tpu.memory_space<vmem>>
      %dma_wait3A_156 = arith.constant 0 : i32
      %dma_wait3A_157 = arith.constant 0 : i32
      %dma_wait3A_158 = tpu.memref_slice %arg11[%dma_wait3A_156, %dma_wait3A_157] : memref<10240x64xf32, #tpu.memory_space<vmem_shared>> -> memref<10240x64xf32, #tpu.memory_space<vmem_shared>>
      tpu.wait_indirect_dma semaphore(%run_scoped3A_146 : memref<!tpu.dma_semaphore, #tpu.memory_space<semaphore_mem>>) src(%arg9 : memref<128x64xf32, #tpu.memory_space<vmem>>) dst(%dma_wait3A_158 : memref<10240x64xf32, #tpu.memory_space<vmem_shared>>)
      tpu.yield
    }) : () -> ()
    %dma_start3A_72 = arith.constant 80 : i32
    %dma_start3A_73 = arith.constant 0 : i32
    %dma_start3A_74 = tpu.memref_slice %arg3[%arg1, %dma_start3A_72, %dma_start3A_73] : memref<16x160x128xi32, #tpu.memory_space<hbm>> -> memref<1x80x128xi32, #tpu.memory_space<hbm>>
    %dma_start3A_75 = tpu.memref_squeeze %dma_start3A_74 : memref<1x80x128xi32, #tpu.memory_space<hbm>> -> memref<80x128xi32, #tpu.memory_space<hbm>>
    %dma_start3A_76 = arith.constant 80 : i32
    %dma_start3A_77 = arith.constant 0 : i32
    %dma_start3A_78 = tpu.memref_slice %arg3[%arg1, %dma_start3A_76, %dma_start3A_77] : memref<16x160x128xi32, #tpu.memory_space<hbm>> -> memref<1x80x128xi32, #tpu.memory_space<hbm>>
    %dma_start3A_79 = tpu.memref_squeeze %dma_start3A_78 : memref<1x80x128xi32, #tpu.memory_space<hbm>> -> memref<80x128xi32, #tpu.memory_space<hbm>>
    tpu.enqueue_dma source(%dma_start3A_79 : memref<80x128xi32, #tpu.memory_space<hbm>>) target(%arg6 : memref<80x128xi32, #tpu.memory_space<vmem>>) target_semaphore(%arg12 : memref<!tpu.dma_semaphore, #tpu.memory_space<semaphore_mem>>)
    %dma_start3A_80 = arith.constant 80 : i32
    %dma_start3A_81 = arith.constant 0 : i32
    %dma_start3A_82 = tpu.memref_slice %arg4[%arg1, %dma_start3A_80, %dma_start3A_81] : memref<16x160x128xi32, #tpu.memory_space<hbm>> -> memref<1x80x128xi32, #tpu.memory_space<hbm>>
    %dma_start3A_83 = tpu.memref_squeeze %dma_start3A_82 : memref<1x80x128xi32, #tpu.memory_space<hbm>> -> memref<80x128xi32, #tpu.memory_space<hbm>>
    %dma_start3A_84 = arith.constant 80 : i32
    %dma_start3A_85 = arith.constant 0 : i32
    %dma_start3A_86 = tpu.memref_slice %arg4[%arg1, %dma_start3A_84, %dma_start3A_85] : memref<16x160x128xi32, #tpu.memory_space<hbm>> -> memref<1x80x128xi32, #tpu.memory_space<hbm>>
    %dma_start3A_87 = tpu.memref_squeeze %dma_start3A_86 : memref<1x80x128xi32, #tpu.memory_space<hbm>> -> memref<80x128xi32, #tpu.memory_space<hbm>>
    tpu.enqueue_dma source(%dma_start3A_87 : memref<80x128xi32, #tpu.memory_space<hbm>>) target(%arg7 : memref<80x128xi32, #tpu.memory_space<vmem>>) target_semaphore(%arg12 : memref<!tpu.dma_semaphore, #tpu.memory_space<semaphore_mem>>)
    %dma_wait3A_88 = arith.constant 80 : i32
    %dma_wait3A_89 = arith.constant 0 : i32
    %dma_wait3A_90 = tpu.memref_slice %arg3[%arg1, %dma_wait3A_88, %dma_wait3A_89] : memref<16x160x128xi32, #tpu.memory_space<hbm>> -> memref<1x80x128xi32, #tpu.memory_space<hbm>>
    %dma_wait3A_91 = tpu.memref_squeeze %dma_wait3A_90 : memref<1x80x128xi32, #tpu.memory_space<hbm>> -> memref<80x128xi32, #tpu.memory_space<hbm>>
    %dma_wait3A_92 = arith.constant 80 : i32
    %dma_wait3A_93 = arith.constant 0 : i32
    %dma_wait3A_94 = tpu.memref_slice %arg3[%arg1, %dma_wait3A_92, %dma_wait3A_93] : memref<16x160x128xi32, #tpu.memory_space<hbm>> -> memref<1x80x128xi32, #tpu.memory_space<hbm>>
    %dma_wait3A_95 = tpu.memref_squeeze %dma_wait3A_94 : memref<1x80x128xi32, #tpu.memory_space<hbm>> -> memref<80x128xi32, #tpu.memory_space<hbm>>
    tpu.wait_dma2 semaphore(%arg12 : memref<!tpu.dma_semaphore, #tpu.memory_space<semaphore_mem>>) src(%dma_wait3A_95 : memref<80x128xi32, #tpu.memory_space<hbm>>) dst(%arg6 : memref<80x128xi32, #tpu.memory_space<vmem>>)
    %dma_wait3A_96 = arith.constant 80 : i32
    %dma_wait3A_97 = arith.constant 0 : i32
    %dma_wait3A_98 = tpu.memref_slice %arg4[%arg1, %dma_wait3A_96, %dma_wait3A_97] : memref<16x160x128xi32, #tpu.memory_space<hbm>> -> memref<1x80x128xi32, #tpu.memory_space<hbm>>
    %dma_wait3A_99 = tpu.memref_squeeze %dma_wait3A_98 : memref<1x80x128xi32, #tpu.memory_space<hbm>> -> memref<80x128xi32, #tpu.memory_space<hbm>>
    %dma_wait3A_100 = arith.constant 80 : i32
    %dma_wait3A_101 = arith.constant 0 : i32
    %dma_wait3A_102 = tpu.memref_slice %arg4[%arg1, %dma_wait3A_100, %dma_wait3A_101] : memref<16x160x128xi32, #tpu.memory_space<hbm>> -> memref<1x80x128xi32, #tpu.memory_space<hbm>>
    %dma_wait3A_103 = tpu.memref_squeeze %dma_wait3A_102 : memref<1x80x128xi32, #tpu.memory_space<hbm>> -> memref<80x128xi32, #tpu.memory_space<hbm>>
    tpu.wait_dma2 semaphore(%arg12 : memref<!tpu.dma_semaphore, #tpu.memory_space<semaphore_mem>>) src(%dma_wait3A_103 : memref<80x128xi32, #tpu.memory_space<hbm>>) dst(%arg7 : memref<80x128xi32, #tpu.memory_space<vmem>>)
    %dma_start3A_104 = arith.constant 0 : i32
    %dma_start3A_105 = arith.constant 0 : i32
    %dma_start3A_106 = tpu.memref_slice %arg6[%dma_start3A_104, %dma_start3A_105] : memref<80x128xi32, #tpu.memory_space<vmem>> -> memref<1x128xi32, #tpu.memory_space<vmem>>
    %dma_start3A_107 = tpu.memref_squeeze %dma_start3A_106 : memref<1x128xi32, #tpu.memory_space<vmem>> -> memref<128xi32, #tpu.memory_space<vmem>>
    %dma_start3A_108 = arith.constant 0 : i32
    %dma_start3A_109 = arith.constant 0 : i32
    %dma_start3A_110 = tpu.memref_slice %arg10[%dma_start3A_108, %dma_start3A_109] : memref<10240x64xf32, #tpu.memory_space<vmem_shared>> -> memref<10240x64xf32, #tpu.memory_space<vmem_shared>>
    tpu.enqueue_indirect_dma source(%dma_start3A_110 : memref<10240x64xf32, #tpu.memory_space<vmem_shared>>) target(%arg8 : memref<128x64xf32, #tpu.memory_space<vmem>>) offsets(%dma_start3A_107 : memref<128xi32, #tpu.memory_space<vmem>>) semaphore(%arg13 : memref<!tpu.dma_semaphore, #tpu.memory_space<semaphore_mem>>)
    %dma_start3A_111 = arith.constant 1 : i32
    %dma_start3A_112 = arith.constant 0 : i32
    %dma_start3A_113 = tpu.memref_slice %arg6[%dma_start3A_111, %dma_start3A_112] : memref<80x128xi32, #tpu.memory_space<vmem>> -> memref<1x128xi32, #tpu.memory_space<vmem>>
    %dma_start3A_114 = tpu.memref_squeeze %dma_start3A_113 : memref<1x128xi32, #tpu.memory_space<vmem>> -> memref<128xi32, #tpu.memory_space<vmem>>
    %dma_start3A_115 = arith.constant 0 : i32
    %dma_start3A_116 = arith.constant 0 : i32
    %dma_start3A_117 = tpu.memref_slice %arg10[%dma_start3A_115, %dma_start3A_116] : memref<10240x64xf32, #tpu.memory_space<vmem_shared>> -> memref<10240x64xf32, #tpu.memory_space<vmem_shared>>
    tpu.enqueue_indirect_dma source(%dma_start3A_117 : memref<10240x64xf32, #tpu.memory_space<vmem_shared>>) target(%arg9 : memref<128x64xf32, #tpu.memory_space<vmem>>) offsets(%dma_start3A_114 : memref<128xi32, #tpu.memory_space<vmem>>) semaphore(%arg14 : memref<!tpu.dma_semaphore, #tpu.memory_space<semaphore_mem>>)
    %scan3A_118 = arith.constant 0 : i32
    %scan3A_119 = arith.constant 0 : i32
    %scan3A_120 = arith.constant 39 : i32
    %scan3A_121 = arith.addi %scan3A_119, %scan3A_120 : i32
    %scan3A_122 = arith.constant 1 : i32
    %scan3A_123 = scf.for %scan3A_146 = %scan3A_119 to %scan3A_121 step %scan3A_122 iter_args(%scan3A_147 = %scan3A_118) -> (i32)  : i32 {
      %mul3A_148 = arith.constant 2 : i32
      %mul3A_149 = arith.muli %mul3A_148, %scan3A_146 : i32
      %dma_wait3A_150 = arith.constant 0 : i32
      %dma_wait3A_151 = tpu.memref_slice %arg6[%mul3A_149, %dma_wait3A_150] : memref<80x128xi32, #tpu.memory_space<vmem>> -> memref<1x128xi32, #tpu.memory_space<vmem>>
      %dma_wait3A_152 = tpu.memref_squeeze %dma_wait3A_151 : memref<1x128xi32, #tpu.memory_space<vmem>> -> memref<128xi32, #tpu.memory_space<vmem>>
      %dma_wait3A_153 = arith.constant 0 : i32
      %dma_wait3A_154 = arith.constant 0 : i32
      %dma_wait3A_155 = tpu.memref_slice %arg10[%dma_wait3A_153, %dma_wait3A_154] : memref<10240x64xf32, #tpu.memory_space<vmem_shared>> -> memref<10240x64xf32, #tpu.memory_space<vmem_shared>>
      tpu.wait_indirect_dma semaphore(%arg13 : memref<!tpu.dma_semaphore, #tpu.memory_space<semaphore_mem>>) src(%dma_wait3A_155 : memref<10240x64xf32, #tpu.memory_space<vmem_shared>>) dst(%arg8 : memref<128x64xf32, #tpu.memory_space<vmem>>)
      "tpu.region"() ({
        %run_scoped3A_182 = tpu.sem_alloc : memref<!tpu.dma_semaphore, #tpu.memory_space<semaphore_mem>>
        %dma_start3A_183 = arith.constant 0 : i32
        %dma_start3A_184 = tpu.memref_slice %arg7[%mul3A_149, %dma_start3A_183] : memref<80x128xi32, #tpu.memory_space<vmem>> -> memref<1x128xi32, #tpu.memory_space<vmem>>
        %dma_start3A_185 = tpu.memref_squeeze %dma_start3A_184 : memref<1x128xi32, #tpu.memory_space<vmem>> -> memref<128xi32, #tpu.memory_space<vmem>>
        %dma_start3A_186 = arith.constant 0 : i32
        %dma_start3A_187 = arith.constant 0 : i32
        %dma_start3A_188 = tpu.memref_slice %arg11[%dma_start3A_186, %dma_start3A_187] : memref<10240x64xf32, #tpu.memory_space<vmem_shared>> -> memref<10240x64xf32, #tpu.memory_space<vmem_shared>>
        tpu.enqueue_indirect_dma source(%arg8 : memref<128x64xf32, #tpu.memory_space<vmem>>) target(%dma_start3A_188 : memref<10240x64xf32, #tpu.memory_space<vmem_shared>>) offsets(%dma_start3A_185 : memref<128xi32, #tpu.memory_space<vmem>>) semaphore(%run_scoped3A_182 : memref<!tpu.dma_semaphore, #tpu.memory_space<semaphore_mem>>) {add = true}
        %dma_wait3A_189 = arith.constant 0 : i32
        %dma_wait3A_190 = tpu.memref_slice %arg7[%mul3A_149, %dma_wait3A_189] : memref<80x128xi32, #tpu.memory_space<vmem>> -> memref<1x128xi32, #tpu.memory_space<vmem>>
        %dma_wait3A_191 = tpu.memref_squeeze %dma_wait3A_190 : memref<1x128xi32, #tpu.memory_space<vmem>> -> memref<128xi32, #tpu.memory_space<vmem>>
        %dma_wait3A_192 = arith.constant 0 : i32
        %dma_wait3A_193 = arith.constant 0 : i32
        %dma_wait3A_194 = tpu.memref_slice %arg11[%dma_wait3A_192, %dma_wait3A_193] : memref<10240x64xf32, #tpu.memory_space<vmem_shared>> -> memref<10240x64xf32, #tpu.memory_space<vmem_shared>>
        tpu.wait_indirect_dma semaphore(%run_scoped3A_182 : memref<!tpu.dma_semaphore, #tpu.memory_space<semaphore_mem>>) src(%arg8 : memref<128x64xf32, #tpu.memory_space<vmem>>) dst(%dma_wait3A_194 : memref<10240x64xf32, #tpu.memory_space<vmem_shared>>)
        tpu.yield
      }) : () -> ()
      %add3A = arith.constant 2 : i32
      %add3A_156 = arith.addi %mul3A_149, %add3A : i32
      %dma_start3A_157 = arith.constant 0 : i32
      %dma_start3A_158 = tpu.memref_slice %arg6[%add3A_156, %dma_start3A_157] : memref<80x128xi32, #tpu.memory_space<vmem>> -> memref<1x128xi32, #tpu.memory_space<vmem>>
      %dma_start3A_159 = tpu.memref_squeeze %dma_start3A_158 : memref<1x128xi32, #tpu.memory_space<vmem>> -> memref<128xi32, #tpu.memory_space<vmem>>
      %dma_start3A_160 = arith.constant 0 : i32
      %dma_start3A_161 = arith.constant 0 : i32
      %dma_start3A_162 = tpu.memref_slice %arg10[%dma_start3A_160, %dma_start3A_161] : memref<10240x64xf32, #tpu.memory_space<vmem_shared>> -> memref<10240x64xf32, #tpu.memory_space<vmem_shared>>
      tpu.enqueue_indirect_dma source(%dma_start3A_162 : memref<10240x64xf32, #tpu.memory_space<vmem_shared>>) target(%arg8 : memref<128x64xf32, #tpu.memory_space<vmem>>) offsets(%dma_start3A_159 : memref<128xi32, #tpu.memory_space<vmem>>) semaphore(%arg13 : memref<!tpu.dma_semaphore, #tpu.memory_space<semaphore_mem>>)
      %add3A_163 = arith.constant 1 : i32
      %add3A_164 = arith.addi %mul3A_149, %add3A_163 : i32
      %dma_wait3A_165 = arith.constant 0 : i32
      %dma_wait3A_166 = tpu.memref_slice %arg6[%add3A_164, %dma_wait3A_165] : memref<80x128xi32, #tpu.memory_space<vmem>> -> memref<1x128xi32, #tpu.memory_space<vmem>>
      %dma_wait3A_167 = tpu.memref_squeeze %dma_wait3A_166 : memref<1x128xi32, #tpu.memory_space<vmem>> -> memref<128xi32, #tpu.memory_space<vmem>>
      %dma_wait3A_168 = arith.constant 0 : i32
      %dma_wait3A_169 = arith.constant 0 : i32
      %dma_wait3A_170 = tpu.memref_slice %arg10[%dma_wait3A_168, %dma_wait3A_169] : memref<10240x64xf32, #tpu.memory_space<vmem_shared>> -> memref<10240x64xf32, #tpu.memory_space<vmem_shared>>
      tpu.wait_indirect_dma semaphore(%arg14 : memref<!tpu.dma_semaphore, #tpu.memory_space<semaphore_mem>>) src(%dma_wait3A_170 : memref<10240x64xf32, #tpu.memory_space<vmem_shared>>) dst(%arg9 : memref<128x64xf32, #tpu.memory_space<vmem>>)
      %add3A_171 = arith.constant 1 : i32
      %add3A_172 = arith.addi %mul3A_149, %add3A_171 : i32
      "tpu.region"() ({
        %run_scoped3A_182 = tpu.sem_alloc : memref<!tpu.dma_semaphore, #tpu.memory_space<semaphore_mem>>
        %dma_start3A_183 = arith.constant 0 : i32
        %dma_start3A_184 = tpu.memref_slice %arg7[%add3A_172, %dma_start3A_183] : memref<80x128xi32, #tpu.memory_space<vmem>> -> memref<1x128xi32, #tpu.memory_space<vmem>>
        %dma_start3A_185 = tpu.memref_squeeze %dma_start3A_184 : memref<1x128xi32, #tpu.memory_space<vmem>> -> memref<128xi32, #tpu.memory_space<vmem>>
        %dma_start3A_186 = arith.constant 0 : i32
        %dma_start3A_187 = arith.constant 0 : i32
        %dma_start3A_188 = tpu.memref_slice %arg11[%dma_start3A_186, %dma_start3A_187] : memref<10240x64xf32, #tpu.memory_space<vmem_shared>> -> memref<10240x64xf32, #tpu.memory_space<vmem_shared>>
        tpu.enqueue_indirect_dma source(%arg9 : memref<128x64xf32, #tpu.memory_space<vmem>>) target(%dma_start3A_188 : memref<10240x64xf32, #tpu.memory_space<vmem_shared>>) offsets(%dma_start3A_185 : memref<128xi32, #tpu.memory_space<vmem>>) semaphore(%run_scoped3A_182 : memref<!tpu.dma_semaphore, #tpu.memory_space<semaphore_mem>>) {add = true}
        %dma_wait3A_189 = arith.constant 0 : i32
        %dma_wait3A_190 = tpu.memref_slice %arg7[%add3A_172, %dma_wait3A_189] : memref<80x128xi32, #tpu.memory_space<vmem>> -> memref<1x128xi32, #tpu.memory_space<vmem>>
        %dma_wait3A_191 = tpu.memref_squeeze %dma_wait3A_190 : memref<1x128xi32, #tpu.memory_space<vmem>> -> memref<128xi32, #tpu.memory_space<vmem>>
        %dma_wait3A_192 = arith.constant 0 : i32
        %dma_wait3A_193 = arith.constant 0 : i32
        %dma_wait3A_194 = tpu.memref_slice %arg11[%dma_wait3A_192, %dma_wait3A_193] : memref<10240x64xf32, #tpu.memory_space<vmem_shared>> -> memref<10240x64xf32, #tpu.memory_space<vmem_shared>>
        tpu.wait_indirect_dma semaphore(%run_scoped3A_182 : memref<!tpu.dma_semaphore, #tpu.memory_space<semaphore_mem>>) src(%arg9 : memref<128x64xf32, #tpu.memory_space<vmem>>) dst(%dma_wait3A_194 : memref<10240x64xf32, #tpu.memory_space<vmem_shared>>)
        tpu.yield
      }) : () -> ()
      %add3A_173 = arith.constant 3 : i32
      %add3A_174 = arith.addi %mul3A_149, %add3A_173 : i32
      %dma_start3A_175 = arith.constant 0 : i32
      %dma_start3A_176 = tpu.memref_slice %arg6[%add3A_174, %dma_start3A_175] : memref<80x128xi32, #tpu.memory_space<vmem>> -> memref<1x128xi32, #tpu.memory_space<vmem>>
      %dma_start3A_177 = tpu.memref_squeeze %dma_start3A_176 : memref<1x128xi32, #tpu.memory_space<vmem>> -> memref<128xi32, #tpu.memory_space<vmem>>
      %dma_start3A_178 = arith.constant 0 : i32
      %dma_start3A_179 = arith.constant 0 : i32
      %dma_start3A_180 = tpu.memref_slice %arg10[%dma_start3A_178, %dma_start3A_179] : memref<10240x64xf32, #tpu.memory_space<vmem_shared>> -> memref<10240x64xf32, #tpu.memory_space<vmem_shared>>
      tpu.enqueue_indirect_dma source(%dma_start3A_180 : memref<10240x64xf32, #tpu.memory_space<vmem_shared>>) target(%arg9 : memref<128x64xf32, #tpu.memory_space<vmem>>) offsets(%dma_start3A_177 : memref<128xi32, #tpu.memory_space<vmem>>) semaphore(%arg14 : memref<!tpu.dma_semaphore, #tpu.memory_space<semaphore_mem>>)
      %scan3A_181 = arith.constant 0 : i32
      scf.yield %scan3A_181 : i32
    }
    %scan3A_124 = arith.constant 39 : i32
    %dma_wait3A_125 = arith.constant 78 : i32
    %dma_wait3A_126 = arith.constant 0 : i32
    %dma_wait3A_127 = tpu.memref_slice %arg6[%dma_wait3A_125, %dma_wait3A_126] : memref<80x128xi32, #tpu.memory_space<vmem>> -> memref<1x128xi32, #tpu.memory_space<vmem>>
    %dma_wait3A_128 = tpu.memref_squeeze %dma_wait3A_127 : memref<1x128xi32, #tpu.memory_space<vmem>> -> memref<128xi32, #tpu.memory_space<vmem>>
    %dma_wait3A_129 = arith.constant 0 : i32
    %dma_wait3A_130 = arith.constant 0 : i32
    %dma_wait3A_131 = tpu.memref_slice %arg10[%dma_wait3A_129, %dma_wait3A_130] : memref<10240x64xf32, #tpu.memory_space<vmem_shared>> -> memref<10240x64xf32, #tpu.memory_space<vmem_shared>>
    tpu.wait_indirect_dma semaphore(%arg13 : memref<!tpu.dma_semaphore, #tpu.memory_space<semaphore_mem>>) src(%dma_wait3A_131 : memref<10240x64xf32, #tpu.memory_space<vmem_shared>>) dst(%arg8 : memref<128x64xf32, #tpu.memory_space<vmem>>)
    %run_scoped3A_132 = arith.constant 78 : i32
    "tpu.region"() ({
      %run_scoped3A_146 = tpu.sem_alloc : memref<!tpu.dma_semaphore, #tpu.memory_space<semaphore_mem>>
      %dma_start3A_147 = arith.constant 0 : i32
      %dma_start3A_148 = tpu.memref_slice %arg7[%run_scoped3A_132, %dma_start3A_147] : memref<80x128xi32, #tpu.memory_space<vmem>> -> memref<1x128xi32, #tpu.memory_space<vmem>>
      %dma_start3A_149 = tpu.memref_squeeze %dma_start3A_148 : memref<1x128xi32, #tpu.memory_space<vmem>> -> memref<128xi32, #tpu.memory_space<vmem>>
      %dma_start3A_150 = arith.constant 0 : i32
      %dma_start3A_151 = arith.constant 0 : i32
      %dma_start3A_152 = tpu.memref_slice %arg11[%dma_start3A_150, %dma_start3A_151] : memref<10240x64xf32, #tpu.memory_space<vmem_shared>> -> memref<10240x64xf32, #tpu.memory_space<vmem_shared>>
      tpu.enqueue_indirect_dma source(%arg8 : memref<128x64xf32, #tpu.memory_space<vmem>>) target(%dma_start3A_152 : memref<10240x64xf32, #tpu.memory_space<vmem_shared>>) offsets(%dma_start3A_149 : memref<128xi32, #tpu.memory_space<vmem>>) semaphore(%run_scoped3A_146 : memref<!tpu.dma_semaphore, #tpu.memory_space<semaphore_mem>>) {add = true}
      %dma_wait3A_153 = arith.constant 0 : i32
      %dma_wait3A_154 = tpu.memref_slice %arg7[%run_scoped3A_132, %dma_wait3A_153] : memref<80x128xi32, #tpu.memory_space<vmem>> -> memref<1x128xi32, #tpu.memory_space<vmem>>
      %dma_wait3A_155 = tpu.memref_squeeze %dma_wait3A_154 : memref<1x128xi32, #tpu.memory_space<vmem>> -> memref<128xi32, #tpu.memory_space<vmem>>
      %dma_wait3A_156 = arith.constant 0 : i32
      %dma_wait3A_157 = arith.constant 0 : i32
      %dma_wait3A_158 = tpu.memref_slice %arg11[%dma_wait3A_156, %dma_wait3A_157] : memref<10240x64xf32, #tpu.memory_space<vmem_shared>> -> memref<10240x64xf32, #tpu.memory_space<vmem_shared>>
      tpu.wait_indirect_dma semaphore(%run_scoped3A_146 : memref<!tpu.dma_semaphore, #tpu.memory_space<semaphore_mem>>) src(%arg8 : memref<128x64xf32, #tpu.memory_space<vmem>>) dst(%dma_wait3A_158 : memref<10240x64xf32, #tpu.memory_space<vmem_shared>>)
      tpu.yield
    }) : () -> ()
    %dma_wait3A_133 = arith.constant 79 : i32
    %dma_wait3A_134 = arith.constant 0 : i32
    %dma_wait3A_135 = tpu.memref_slice %arg6[%dma_wait3A_133, %dma_wait3A_134] : memref<80x128xi32, #tpu.memory_space<vmem>> -> memref<1x128xi32, #tpu.memory_space<vmem>>
    %dma_wait3A_136 = tpu.memref_squeeze %dma_wait3A_135 : memref<1x128xi32, #tpu.memory_space<vmem>> -> memref<128xi32, #tpu.memory_space<vmem>>
    %dma_wait3A_137 = arith.constant 0 : i32
    %dma_wait3A_138 = arith.constant 0 : i32
    %dma_wait3A_139 = tpu.memref_slice %arg10[%dma_wait3A_137, %dma_wait3A_138] : memref<10240x64xf32, #tpu.memory_space<vmem_shared>> -> memref<10240x64xf32, #tpu.memory_space<vmem_shared>>
    tpu.wait_indirect_dma semaphore(%arg14 : memref<!tpu.dma_semaphore, #tpu.memory_space<semaphore_mem>>) src(%dma_wait3A_139 : memref<10240x64xf32, #tpu.memory_space<vmem_shared>>) dst(%arg9 : memref<128x64xf32, #tpu.memory_space<vmem>>)
    %run_scoped3A_140 = arith.constant 79 : i32
    "tpu.region"() ({
      %run_scoped3A_146 = tpu.sem_alloc : memref<!tpu.dma_semaphore, #tpu.memory_space<semaphore_mem>>
      %dma_start3A_147 = arith.constant 0 : i32
      %dma_start3A_148 = tpu.memref_slice %arg7[%run_scoped3A_140, %dma_start3A_147] : memref<80x128xi32, #tpu.memory_space<vmem>> -> memref<1x128xi32, #tpu.memory_space<vmem>>
      %dma_start3A_149 = tpu.memref_squeeze %dma_start3A_148 : memref<1x128xi32, #tpu.memory_space<vmem>> -> memref<128xi32, #tpu.memory_space<vmem>>
      %dma_start3A_150 = arith.constant 0 : i32
      %dma_start3A_151 = arith.constant 0 : i32
      %dma_start3A_152 = tpu.memref_slice %arg11[%dma_start3A_150, %dma_start3A_151] : memref<10240x64xf32, #tpu.memory_space<vmem_shared>> -> memref<10240x64xf32, #tpu.memory_space<vmem_shared>>
      tpu.enqueue_indirect_dma source(%arg9 : memref<128x64xf32, #tpu.memory_space<vmem>>) target(%dma_start3A_152 : memref<10240x64xf32, #tpu.memory_space<vmem_shared>>) offsets(%dma_start3A_149 : memref<128xi32, #tpu.memory_space<vmem>>) semaphore(%run_scoped3A_146 : memref<!tpu.dma_semaphore, #tpu.memory_space<semaphore_mem>>) {add = true}
      %dma_wait3A_153 = arith.constant 0 : i32
      %dma_wait3A_154 = tpu.memref_slice %arg7[%run_scoped3A_140, %dma_wait3A_153] : memref<80x128xi32, #tpu.memory_space<vmem>> -> memref<1x128xi32, #tpu.memory_space<vmem>>
      %dma_wait3A_155 = tpu.memref_squeeze %dma_wait3A_154 : memref<1x128xi32, #tpu.memory_space<vmem>> -> memref<128xi32, #tpu.memory_space<vmem>>
      %dma_wait3A_156 = arith.constant 0 : i32
      %dma_wait3A_157 = arith.constant 0 : i32
      %dma_wait3A_158 = tpu.memref_slice %arg11[%dma_wait3A_156, %dma_wait3A_157] : memref<10240x64xf32, #tpu.memory_space<vmem_shared>> -> memref<10240x64xf32, #tpu.memory_space<vmem_shared>>
      tpu.wait_indirect_dma semaphore(%run_scoped3A_146 : memref<!tpu.dma_semaphore, #tpu.memory_space<semaphore_mem>>) src(%arg9 : memref<128x64xf32, #tpu.memory_space<vmem>>) dst(%dma_wait3A_158 : memref<10240x64xf32, #tpu.memory_space<vmem_shared>>)
      tpu.yield
    }) : () -> ()
    %barrier3A_141 = arith.constant 0 : index
    tpu.barrier barrier_id(%barrier3A_141)
    %mul3A_142 = arith.constant 640 : i32
    %mul3A_143 = arith.muli %arg1, %mul3A_142 : i32
    %mul3A_144 = arith.constant 640 : i32
    %mul3A_145 = arith.muli %arg1, %mul3A_144 : i32
    "tpu.region"() ({
      %run_scoped3A_146 = tpu.sem_alloc : memref<!tpu.dma_semaphore, #tpu.memory_space<semaphore_mem>>
      %dma_start3A_147 = arith.constant 0 : i32
      %dma_start3A_148 = tpu.memref_slice %arg5[%arg0, %mul3A_145, %dma_start3A_147] : memref<2x10240x64xf32, #tpu.memory_space<hbm>> -> memref<1x640x64xf32, #tpu.memory_space<hbm>>
      %dma_start3A_149 = tpu.memref_squeeze %dma_start3A_148 : memref<1x640x64xf32, #tpu.memory_space<hbm>> -> memref<640x64xf32, #tpu.memory_space<hbm>>
      %dma_start3A_150 = arith.constant 0 : i32
      %dma_start3A_151 = tpu.memref_slice %arg11[%mul3A_143, %dma_start3A_150] : memref<10240x64xf32, #tpu.memory_space<vmem_shared>> -> memref<640x64xf32, #tpu.memory_space<vmem_shared>>
      tpu.enqueue_dma source(%dma_start3A_151 : memref<640x64xf32, #tpu.memory_space<vmem_shared>>) target(%dma_start3A_149 : memref<640x64xf32, #tpu.memory_space<hbm>>) target_semaphore(%run_scoped3A_146 : memref<!tpu.dma_semaphore, #tpu.memory_space<semaphore_mem>>)
      %dma_wait3A_152 = arith.constant 0 : i32
      %dma_wait3A_153 = tpu.memref_slice %arg5[%arg0, %mul3A_145, %dma_wait3A_152] : memref<2x10240x64xf32, #tpu.memory_space<hbm>> -> memref<1x640x64xf32, #tpu.memory_space<hbm>>
      %dma_wait3A_154 = tpu.memref_squeeze %dma_wait3A_153 : memref<1x640x64xf32, #tpu.memory_space<hbm>> -> memref<640x64xf32, #tpu.memory_space<hbm>>
      %dma_wait3A_155 = arith.constant 0 : i32
      %dma_wait3A_156 = tpu.memref_slice %arg11[%mul3A_143, %dma_wait3A_155] : memref<10240x64xf32, #tpu.memory_space<vmem_shared>> -> memref<640x64xf32, #tpu.memory_space<vmem_shared>>
      tpu.wait_dma2 semaphore(%run_scoped3A_146 : memref<!tpu.dma_semaphore, #tpu.memory_space<semaphore_mem>>) src(%dma_wait3A_156 : memref<640x64xf32, #tpu.memory_space<vmem_shared>>) dst(%dma_wait3A_154 : memref<640x64xf32, #tpu.memory_space<hbm>>)
      tpu.yield
    }) : () -> ()
    return
  }
}

#map = affine_map<(d0, d1) -> (0, 0, 0)>
module attributes {stable_mosaic.version = 14 : i64} {
  func.func @_deg_kernel(%arg0: i32, %arg1: i32, %arg2: memref<32x80x128xi32, #tpu.memory_space<hbm>>, %arg3: memref<2x1x10240xf32, #tpu.memory_space<hbm>>, %arg4: memref<640xf32, #tpu.memory_space<vmem>>, %arg5: memref<128xf32, #tpu.memory_space<vmem>>, %arg6: memref<80x128xi32, #tpu.memory_space<vmem>>, %arg7: memref<10240xf32, #tpu.memory_space<vmem_shared>>, %arg8: memref<!tpu.dma_semaphore, #tpu.memory_space<semaphore_mem>>, %arg9: memref<!tpu.dma_semaphore, #tpu.memory_space<semaphore_mem>>) attributes {dimension_semantics = [#tpu.dimension_semantics<core_parallel>, #tpu.dimension_semantics<subcore_parallel>], iteration_bounds = array<i64: 2, 16>, scalar_prefetch = 0 : i64, scratch_operands = 6 : i64, tpu.core_type = #tpu.core_type<sc_vector_subcore>, window_params = [{transform_indices = #map}, {transform_indices = #map}]} {
    %mul3A = arith.constant 2 : i32
    %mul3A_0 = arith.muli %arg1, %mul3A : i32
    %add3A = arith.addi %mul3A_0, %arg0 : i32
    %dma_start3A = arith.constant 0 : i32
    %dma_start3A_1 = arith.constant 0 : i32
    %dma_start3A_2 = tpu.memref_slice %arg2[%add3A, %dma_start3A, %dma_start3A_1] : memref<32x80x128xi32, #tpu.memory_space<hbm>> -> memref<1x80x128xi32, #tpu.memory_space<hbm>>
    %dma_start3A_3 = tpu.memref_squeeze %dma_start3A_2 : memref<1x80x128xi32, #tpu.memory_space<hbm>> -> memref<80x128xi32, #tpu.memory_space<hbm>>
    %dma_start3A_4 = arith.constant 0 : i32
    %dma_start3A_5 = arith.constant 0 : i32
    %dma_start3A_6 = tpu.memref_slice %arg2[%add3A, %dma_start3A_4, %dma_start3A_5] : memref<32x80x128xi32, #tpu.memory_space<hbm>> -> memref<1x80x128xi32, #tpu.memory_space<hbm>>
    %dma_start3A_7 = tpu.memref_squeeze %dma_start3A_6 : memref<1x80x128xi32, #tpu.memory_space<hbm>> -> memref<80x128xi32, #tpu.memory_space<hbm>>
    tpu.enqueue_dma source(%dma_start3A_7 : memref<80x128xi32, #tpu.memory_space<hbm>>) target(%arg6 : memref<80x128xi32, #tpu.memory_space<vmem>>) target_semaphore(%arg8 : memref<!tpu.dma_semaphore, #tpu.memory_space<semaphore_mem>>)
    %scan3A = arith.constant 0 : i32
    %scan3A_8 = arith.constant 0 : i32
    %scan3A_9 = arith.constant 40 : i32
    %scan3A_10 = arith.addi %scan3A_8, %scan3A_9 : i32
    %scan3A_11 = arith.constant 1 : i32
    %scan3A_12 = scf.for %scan3A_49 = %scan3A_8 to %scan3A_10 step %scan3A_11 iter_args(%scan3A_50 = %scan3A) -> (i32)  : i32 {
      %broadcast_in_dim3A = arith.constant 0.000000e+00 : f32
      %broadcast_in_dim3A_51 = vector.broadcast %broadcast_in_dim3A : f32 to vector<16xf32>
      %mul3A_52 = arith.constant 16 : i32
      %mul3A_53 = arith.muli %scan3A_49, %mul3A_52 : i32
      %swap3A = arith.index_cast %mul3A_53 : i32 to index
      %swap3A_54 = tpu.vector_load %arg4[%swap3A] {strides = array<i32>} : memref<640xf32, #tpu.memory_space<vmem>>, vector<16xf32>,
      %swap3A_55 = vector.shape_cast %swap3A_54 : vector<16xf32> to vector<16xf32>
      %swap3A_56 = vector.shape_cast %broadcast_in_dim3A_51 : vector<16xf32> to vector<16xf32>
      tpu.vector_store %arg4[%swap3A], %swap3A_56 {strides = array<i32>} : memref<640xf32, #tpu.memory_space<vmem>>, vector<16xf32>,
      %scan3A_57 = arith.constant 0 : i32
      scf.yield %scan3A_57 : i32
    }
    %scan3A_13 = arith.constant 40 : i32
    %scan3A_14 = arith.constant 0 : i32
    %scan3A_15 = arith.constant 0 : i32
    %scan3A_16 = arith.constant 8 : i32
    %scan3A_17 = arith.addi %scan3A_15, %scan3A_16 : i32
    %scan3A_18 = arith.constant 1 : i32
    %scan3A_19 = scf.for %scan3A_49 = %scan3A_15 to %scan3A_17 step %scan3A_18 iter_args(%scan3A_50 = %scan3A_14) -> (i32)  : i32 {
      %broadcast_in_dim3A = arith.constant 1.000000e+00 : f32
      %broadcast_in_dim3A_51 = vector.broadcast %broadcast_in_dim3A : f32 to vector<16xf32>
      %mul3A_52 = arith.constant 16 : i32
      %mul3A_53 = arith.muli %scan3A_49, %mul3A_52 : i32
      %swap3A = arith.index_cast %mul3A_53 : i32 to index
      %swap3A_54 = tpu.vector_load %arg5[%swap3A] {strides = array<i32>} : memref<128xf32, #tpu.memory_space<vmem>>, vector<16xf32>,
      %swap3A_55 = vector.shape_cast %swap3A_54 : vector<16xf32> to vector<16xf32>
      %swap3A_56 = vector.shape_cast %broadcast_in_dim3A_51 : vector<16xf32> to vector<16xf32>
      tpu.vector_store %arg5[%swap3A], %swap3A_56 {strides = array<i32>} : memref<128xf32, #tpu.memory_space<vmem>>, vector<16xf32>,
      %scan3A_57 = arith.constant 0 : i32
      scf.yield %scan3A_57 : i32
    }
    %scan3A_20 = arith.constant 8 : i32
    %mul3A_21 = arith.constant 640 : i32
    %mul3A_22 = arith.muli %arg1, %mul3A_21 : i32
    "tpu.region"() ({
      %run_scoped3A_49 = tpu.sem_alloc : memref<!tpu.dma_semaphore, #tpu.memory_space<semaphore_mem>>
      %dma_start3A_50 = tpu.memref_slice %arg7[%mul3A_22] : memref<10240xf32, #tpu.memory_space<vmem_shared>> -> memref<640xf32, #tpu.memory_space<vmem_shared>>
      %dma_start3A_51 = tpu.memref_slice %arg7[%mul3A_22] : memref<10240xf32, #tpu.memory_space<vmem_shared>> -> memref<640xf32, #tpu.memory_space<vmem_shared>>
      tpu.enqueue_dma source(%arg4 : memref<640xf32, #tpu.memory_space<vmem>>) target(%dma_start3A_51 : memref<640xf32, #tpu.memory_space<vmem_shared>>) target_semaphore(%run_scoped3A_49 : memref<!tpu.dma_semaphore, #tpu.memory_space<semaphore_mem>>)
      %dma_wait3A_52 = tpu.memref_slice %arg7[%mul3A_22] : memref<10240xf32, #tpu.memory_space<vmem_shared>> -> memref<640xf32, #tpu.memory_space<vmem_shared>>
      %dma_wait3A_53 = tpu.memref_slice %arg7[%mul3A_22] : memref<10240xf32, #tpu.memory_space<vmem_shared>> -> memref<640xf32, #tpu.memory_space<vmem_shared>>
      tpu.wait_dma2 semaphore(%run_scoped3A_49 : memref<!tpu.dma_semaphore, #tpu.memory_space<semaphore_mem>>) src(%arg4 : memref<640xf32, #tpu.memory_space<vmem>>) dst(%dma_wait3A_53 : memref<640xf32, #tpu.memory_space<vmem_shared>>)
      tpu.yield
    }) : () -> ()
    %dma_wait3A = arith.constant 0 : i32
    %dma_wait3A_23 = arith.constant 0 : i32
    %dma_wait3A_24 = tpu.memref_slice %arg2[%add3A, %dma_wait3A, %dma_wait3A_23] : memref<32x80x128xi32, #tpu.memory_space<hbm>> -> memref<1x80x128xi32, #tpu.memory_space<hbm>>
    %dma_wait3A_25 = tpu.memref_squeeze %dma_wait3A_24 : memref<1x80x128xi32, #tpu.memory_space<hbm>> -> memref<80x128xi32, #tpu.memory_space<hbm>>
    %dma_wait3A_26 = arith.constant 0 : i32
    %dma_wait3A_27 = arith.constant 0 : i32
    %dma_wait3A_28 = tpu.memref_slice %arg2[%add3A, %dma_wait3A_26, %dma_wait3A_27] : memref<32x80x128xi32, #tpu.memory_space<hbm>> -> memref<1x80x128xi32, #tpu.memory_space<hbm>>
    %dma_wait3A_29 = tpu.memref_squeeze %dma_wait3A_28 : memref<1x80x128xi32, #tpu.memory_space<hbm>> -> memref<80x128xi32, #tpu.memory_space<hbm>>
    tpu.wait_dma2 semaphore(%arg8 : memref<!tpu.dma_semaphore, #tpu.memory_space<semaphore_mem>>) src(%dma_wait3A_29 : memref<80x128xi32, #tpu.memory_space<hbm>>) dst(%arg6 : memref<80x128xi32, #tpu.memory_space<vmem>>)
    %barrier3A = arith.constant 0 : index
    tpu.barrier barrier_id(%barrier3A)
    %scan3A_30 = arith.constant 0 : i32
    %scan3A_31 = arith.constant 0 : i32
    %scan3A_32 = arith.constant 80 : i32
    %scan3A_33 = arith.addi %scan3A_31, %scan3A_32 : i32
    %scan3A_34 = arith.constant 1 : i32
    %scan3A_35 = scf.for %scan3A_49 = %scan3A_31 to %scan3A_33 step %scan3A_34 iter_args(%scan3A_50 = %scan3A_30) -> (i32)  : i32 {
      %dma_start3A_51 = arith.constant 0 : i32
      %dma_start3A_52 = tpu.memref_slice %arg6[%scan3A_49, %dma_start3A_51] : memref<80x128xi32, #tpu.memory_space<vmem>> -> memref<1x128xi32, #tpu.memory_space<vmem>>
      %dma_start3A_53 = tpu.memref_squeeze %dma_start3A_52 : memref<1x128xi32, #tpu.memory_space<vmem>> -> memref<128xi32, #tpu.memory_space<vmem>>
      %dma_start3A_54 = arith.constant 0 : i32
      %dma_start3A_55 = tpu.memref_slice %arg7[%dma_start3A_54] : memref<10240xf32, #tpu.memory_space<vmem_shared>> -> memref<10240xf32, #tpu.memory_space<vmem_shared>>
      tpu.enqueue_indirect_dma source(%arg5 : memref<128xf32, #tpu.memory_space<vmem>>) target(%dma_start3A_55 : memref<10240xf32, #tpu.memory_space<vmem_shared>>) offsets(%dma_start3A_53 : memref<128xi32, #tpu.memory_space<vmem>>) semaphore(%arg9 : memref<!tpu.dma_semaphore, #tpu.memory_space<semaphore_mem>>) {add = true}
      %scan3A_56 = arith.constant 0 : i32
      scf.yield %scan3A_56 : i32
    }
    %scan3A_36 = arith.constant 80 : i32
    %scan3A_37 = arith.constant 0 : i32
    %scan3A_38 = arith.constant 0 : i32
    %scan3A_39 = arith.constant 80 : i32
    %scan3A_40 = arith.addi %scan3A_38, %scan3A_39 : i32
    %scan3A_41 = arith.constant 1 : i32
    %scan3A_42 = scf.for %scan3A_49 = %scan3A_38 to %scan3A_40 step %scan3A_41 iter_args(%scan3A_50 = %scan3A_37) -> (i32)  : i32 {
      %dma_wait3A_51 = arith.constant 0 : i32
      %dma_wait3A_52 = tpu.memref_slice %arg6[%scan3A_49, %dma_wait3A_51] : memref<80x128xi32, #tpu.memory_space<vmem>> -> memref<1x128xi32, #tpu.memory_space<vmem>>
      %dma_wait3A_53 = tpu.memref_squeeze %dma_wait3A_52 : memref<1x128xi32, #tpu.memory_space<vmem>> -> memref<128xi32, #tpu.memory_space<vmem>>
      %dma_wait3A_54 = arith.constant 0 : i32
      %dma_wait3A_55 = tpu.memref_slice %arg7[%dma_wait3A_54] : memref<10240xf32, #tpu.memory_space<vmem_shared>> -> memref<10240xf32, #tpu.memory_space<vmem_shared>>
      tpu.wait_indirect_dma semaphore(%arg9 : memref<!tpu.dma_semaphore, #tpu.memory_space<semaphore_mem>>) src(%arg5 : memref<128xf32, #tpu.memory_space<vmem>>) dst(%dma_wait3A_55 : memref<10240xf32, #tpu.memory_space<vmem_shared>>)
      %scan3A_56 = arith.constant 0 : i32
      scf.yield %scan3A_56 : i32
    }
    %scan3A_43 = arith.constant 80 : i32
    %barrier3A_44 = arith.constant 0 : index
    tpu.barrier barrier_id(%barrier3A_44)
    %mul3A_45 = arith.constant 640 : i32
    %mul3A_46 = arith.muli %arg1, %mul3A_45 : i32
    %mul3A_47 = arith.constant 640 : i32
    %mul3A_48 = arith.muli %arg1, %mul3A_47 : i32
    %run_scoped3A = arith.constant 0 : i32
    "tpu.region"() ({
      %run_scoped3A_49 = tpu.sem_alloc : memref<!tpu.dma_semaphore, #tpu.memory_space<semaphore_mem>>
      %dma_start3A_50 = tpu.memref_slice %arg3[%arg0, %run_scoped3A, %mul3A_48] : memref<2x1x10240xf32, #tpu.memory_space<hbm>> -> memref<1x1x640xf32, #tpu.memory_space<hbm>>
      %dma_start3A_51 = tpu.memref_squeeze %dma_start3A_50 : memref<1x1x640xf32, #tpu.memory_space<hbm>> -> memref<640xf32, #tpu.memory_space<hbm>>
      %dma_start3A_52 = tpu.memref_slice %arg7[%mul3A_46] : memref<10240xf32, #tpu.memory_space<vmem_shared>> -> memref<640xf32, #tpu.memory_space<vmem_shared>>
      tpu.enqueue_dma source(%dma_start3A_52 : memref<640xf32, #tpu.memory_space<vmem_shared>>) target(%dma_start3A_51 : memref<640xf32, #tpu.memory_space<hbm>>) target_semaphore(%run_scoped3A_49 : memref<!tpu.dma_semaphore, #tpu.memory_space<semaphore_mem>>)
      %dma_wait3A_53 = tpu.memref_slice %arg3[%arg0, %run_scoped3A, %mul3A_48] : memref<2x1x10240xf32, #tpu.memory_space<hbm>> -> memref<1x1x640xf32, #tpu.memory_space<hbm>>
      %dma_wait3A_54 = tpu.memref_squeeze %dma_wait3A_53 : memref<1x1x640xf32, #tpu.memory_space<hbm>> -> memref<640xf32, #tpu.memory_space<hbm>>
      %dma_wait3A_55 = tpu.memref_slice %arg7[%mul3A_46] : memref<10240xf32, #tpu.memory_space<vmem_shared>> -> memref<640xf32, #tpu.memory_space<vmem_shared>>
      tpu.wait_dma2 semaphore(%run_scoped3A_49 : memref<!tpu.dma_semaphore, #tpu.memory_space<semaphore_mem>>) src(%dma_wait3A_55 : memref<640xf32, #tpu.memory_space<vmem_shared>>) dst(%dma_wait3A_54 : memref<640xf32, #tpu.memory_space<hbm>>)
      tpu.yield
    }) : () -> ()
    return
  }
}

#map = affine_map<(d0, d1) -> (0, 0, 0)>
module attributes {stable_mosaic.version = 14 : i64} {
  func.func @_scatter_kernel(%arg0: i32, %arg1: i32, %arg2: memref<2x10240x64xf32, #tpu.memory_space<hbm>>, %arg3: memref<16x160x128xi32, #tpu.memory_space<hbm>>, %arg4: memref<16x160x128xi32, #tpu.memory_space<hbm>>, %arg5: memref<2x10240x64xf32, #tpu.memory_space<hbm>>, %arg6: memref<80x128xi32, #tpu.memory_space<vmem>>, %arg7: memref<80x128xi32, #tpu.memory_space<vmem>>, %arg8: memref<128x64xf32, #tpu.memory_space<vmem>>, %arg9: memref<128x64xf32, #tpu.memory_space<vmem>>, %arg10: memref<10240x64xf32, #tpu.memory_space<vmem_shared>>, %arg11: memref<10240x64xf32, #tpu.memory_space<vmem_shared>>, %arg12: memref<!tpu.dma_semaphore, #tpu.memory_space<semaphore_mem>>, %arg13: memref<!tpu.dma_semaphore, #tpu.memory_space<semaphore_mem>>, %arg14: memref<!tpu.dma_semaphore, #tpu.memory_space<semaphore_mem>>) attributes {dimension_semantics = [#tpu.dimension_semantics<core_parallel>, #tpu.dimension_semantics<subcore_parallel>], iteration_bounds = array<i64: 2, 16>, scalar_prefetch = 0 : i64, scratch_operands = 9 : i64, tpu.core_type = #tpu.core_type<sc_vector_subcore>, window_params = [{transform_indices = #map}, {transform_indices = #map}, {transform_indices = #map}, {transform_indices = #map}]} {
    %mul3A = arith.constant 640 : i32
    %mul3A_0 = arith.muli %arg1, %mul3A : i32
    %mul3A_1 = arith.constant 640 : i32
    %mul3A_2 = arith.muli %arg1, %mul3A_1 : i32
    "tpu.region"() ({
      %run_scoped3A_146 = tpu.sem_alloc : memref<!tpu.dma_semaphore, #tpu.memory_space<semaphore_mem>>
      %dma_start3A_147 = arith.constant 0 : i32
      %dma_start3A_148 = tpu.memref_slice %arg10[%mul3A_2, %dma_start3A_147] : memref<10240x64xf32, #tpu.memory_space<vmem_shared>> -> memref<640x64xf32, #tpu.memory_space<vmem_shared>>
      %dma_start3A_149 = arith.constant 0 : i32
      %dma_start3A_150 = tpu.memref_slice %arg2[%arg0, %mul3A_0, %dma_start3A_149] : memref<2x10240x64xf32, #tpu.memory_space<hbm>> -> memref<1x640x64xf32, #tpu.memory_space<hbm>>
      %dma_start3A_151 = tpu.memref_squeeze %dma_start3A_150 : memref<1x640x64xf32, #tpu.memory_space<hbm>> -> memref<640x64xf32, #tpu.memory_space<hbm>>
      tpu.enqueue_dma source(%dma_start3A_151 : memref<640x64xf32, #tpu.memory_space<hbm>>) target(%dma_start3A_148 : memref<640x64xf32, #tpu.memory_space<vmem_shared>>) target_semaphore(%run_scoped3A_146 : memref<!tpu.dma_semaphore, #tpu.memory_space<semaphore_mem>>)
      %dma_wait3A_152 = arith.constant 0 : i32
      %dma_wait3A_153 = tpu.memref_slice %arg10[%mul3A_2, %dma_wait3A_152] : memref<10240x64xf32, #tpu.memory_space<vmem_shared>> -> memref<640x64xf32, #tpu.memory_space<vmem_shared>>
      %dma_wait3A_154 = arith.constant 0 : i32
      %dma_wait3A_155 = tpu.memref_slice %arg2[%arg0, %mul3A_0, %dma_wait3A_154] : memref<2x10240x64xf32, #tpu.memory_space<hbm>> -> memref<1x640x64xf32, #tpu.memory_space<hbm>>
      %dma_wait3A_156 = tpu.memref_squeeze %dma_wait3A_155 : memref<1x640x64xf32, #tpu.memory_space<hbm>> -> memref<640x64xf32, #tpu.memory_space<hbm>>
      tpu.wait_dma2 semaphore(%run_scoped3A_146 : memref<!tpu.dma_semaphore, #tpu.memory_space<semaphore_mem>>) src(%dma_wait3A_156 : memref<640x64xf32, #tpu.memory_space<hbm>>) dst(%dma_wait3A_153 : memref<640x64xf32, #tpu.memory_space<vmem_shared>>)
      tpu.yield
    }) : () -> ()
    %mul3A_3 = arith.constant 640 : i32
    %mul3A_4 = arith.muli %arg1, %mul3A_3 : i32
    %mul3A_5 = arith.constant 640 : i32
    %mul3A_6 = arith.muli %arg1, %mul3A_5 : i32
    "tpu.region"() ({
      %run_scoped3A_146 = tpu.sem_alloc : memref<!tpu.dma_semaphore, #tpu.memory_space<semaphore_mem>>
      %dma_start3A_147 = arith.constant 0 : i32
      %dma_start3A_148 = tpu.memref_slice %arg11[%mul3A_6, %dma_start3A_147] : memref<10240x64xf32, #tpu.memory_space<vmem_shared>> -> memref<640x64xf32, #tpu.memory_space<vmem_shared>>
      %dma_start3A_149 = arith.constant 0 : i32
      %dma_start3A_150 = tpu.memref_slice %arg2[%arg0, %mul3A_4, %dma_start3A_149] : memref<2x10240x64xf32, #tpu.memory_space<hbm>> -> memref<1x640x64xf32, #tpu.memory_space<hbm>>
      %dma_start3A_151 = tpu.memref_squeeze %dma_start3A_150 : memref<1x640x64xf32, #tpu.memory_space<hbm>> -> memref<640x64xf32, #tpu.memory_space<hbm>>
      tpu.enqueue_dma source(%dma_start3A_151 : memref<640x64xf32, #tpu.memory_space<hbm>>) target(%dma_start3A_148 : memref<640x64xf32, #tpu.memory_space<vmem_shared>>) target_semaphore(%run_scoped3A_146 : memref<!tpu.dma_semaphore, #tpu.memory_space<semaphore_mem>>)
      %dma_wait3A_152 = arith.constant 0 : i32
      %dma_wait3A_153 = tpu.memref_slice %arg11[%mul3A_6, %dma_wait3A_152] : memref<10240x64xf32, #tpu.memory_space<vmem_shared>> -> memref<640x64xf32, #tpu.memory_space<vmem_shared>>
      %dma_wait3A_154 = arith.constant 0 : i32
      %dma_wait3A_155 = tpu.memref_slice %arg2[%arg0, %mul3A_4, %dma_wait3A_154] : memref<2x10240x64xf32, #tpu.memory_space<hbm>> -> memref<1x640x64xf32, #tpu.memory_space<hbm>>
      %dma_wait3A_156 = tpu.memref_squeeze %dma_wait3A_155 : memref<1x640x64xf32, #tpu.memory_space<hbm>> -> memref<640x64xf32, #tpu.memory_space<hbm>>
      tpu.wait_dma2 semaphore(%run_scoped3A_146 : memref<!tpu.dma_semaphore, #tpu.memory_space<semaphore_mem>>) src(%dma_wait3A_156 : memref<640x64xf32, #tpu.memory_space<hbm>>) dst(%dma_wait3A_153 : memref<640x64xf32, #tpu.memory_space<vmem_shared>>)
      tpu.yield
    }) : () -> ()
    %barrier3A = arith.constant 0 : index
    tpu.barrier barrier_id(%barrier3A)
    %dma_start3A = arith.constant 0 : i32
    %dma_start3A_7 = arith.constant 0 : i32
    %dma_start3A_8 = tpu.memref_slice %arg3[%arg1, %dma_start3A, %dma_start3A_7] : memref<16x160x128xi32, #tpu.memory_space<hbm>> -> memref<1x80x128xi32, #tpu.memory_space<hbm>>
    %dma_start3A_9 = tpu.memref_squeeze %dma_start3A_8 : memref<1x80x128xi32, #tpu.memory_space<hbm>> -> memref<80x128xi32, #tpu.memory_space<hbm>>
    %dma_start3A_10 = arith.constant 0 : i32
    %dma_start3A_11 = arith.constant 0 : i32
    %dma_start3A_12 = tpu.memref_slice %arg3[%arg1, %dma_start3A_10, %dma_start3A_11] : memref<16x160x128xi32, #tpu.memory_space<hbm>> -> memref<1x80x128xi32, #tpu.memory_space<hbm>>
    %dma_start3A_13 = tpu.memref_squeeze %dma_start3A_12 : memref<1x80x128xi32, #tpu.memory_space<hbm>> -> memref<80x128xi32, #tpu.memory_space<hbm>>
    tpu.enqueue_dma source(%dma_start3A_13 : memref<80x128xi32, #tpu.memory_space<hbm>>) target(%arg6 : memref<80x128xi32, #tpu.memory_space<vmem>>) target_semaphore(%arg12 : memref<!tpu.dma_semaphore, #tpu.memory_space<semaphore_mem>>)
    %dma_start3A_14 = arith.constant 0 : i32
    %dma_start3A_15 = arith.constant 0 : i32
    %dma_start3A_16 = tpu.memref_slice %arg4[%arg1, %dma_start3A_14, %dma_start3A_15] : memref<16x160x128xi32, #tpu.memory_space<hbm>> -> memref<1x80x128xi32, #tpu.memory_space<hbm>>
    %dma_start3A_17 = tpu.memref_squeeze %dma_start3A_16 : memref<1x80x128xi32, #tpu.memory_space<hbm>> -> memref<80x128xi32, #tpu.memory_space<hbm>>
    %dma_start3A_18 = arith.constant 0 : i32
    %dma_start3A_19 = arith.constant 0 : i32
    %dma_start3A_20 = tpu.memref_slice %arg4[%arg1, %dma_start3A_18, %dma_start3A_19] : memref<16x160x128xi32, #tpu.memory_space<hbm>> -> memref<1x80x128xi32, #tpu.memory_space<hbm>>
    %dma_start3A_21 = tpu.memref_squeeze %dma_start3A_20 : memref<1x80x128xi32, #tpu.memory_space<hbm>> -> memref<80x128xi32, #tpu.memory_space<hbm>>
    tpu.enqueue_dma source(%dma_start3A_21 : memref<80x128xi32, #tpu.memory_space<hbm>>) target(%arg7 : memref<80x128xi32, #tpu.memory_space<vmem>>) target_semaphore(%arg12 : memref<!tpu.dma_semaphore, #tpu.memory_space<semaphore_mem>>)
    %dma_wait3A = arith.constant 0 : i32
    %dma_wait3A_22 = arith.constant 0 : i32
    %dma_wait3A_23 = tpu.memref_slice %arg3[%arg1, %dma_wait3A, %dma_wait3A_22] : memref<16x160x128xi32, #tpu.memory_space<hbm>> -> memref<1x80x128xi32, #tpu.memory_space<hbm>>
    %dma_wait3A_24 = tpu.memref_squeeze %dma_wait3A_23 : memref<1x80x128xi32, #tpu.memory_space<hbm>> -> memref<80x128xi32, #tpu.memory_space<hbm>>
    %dma_wait3A_25 = arith.constant 0 : i32
    %dma_wait3A_26 = arith.constant 0 : i32
    %dma_wait3A_27 = tpu.memref_slice %arg3[%arg1, %dma_wait3A_25, %dma_wait3A_26] : memref<16x160x128xi32, #tpu.memory_space<hbm>> -> memref<1x80x128xi32, #tpu.memory_space<hbm>>
    %dma_wait3A_28 = tpu.memref_squeeze %dma_wait3A_27 : memref<1x80x128xi32, #tpu.memory_space<hbm>> -> memref<80x128xi32, #tpu.memory_space<hbm>>
    tpu.wait_dma2 semaphore(%arg12 : memref<!tpu.dma_semaphore, #tpu.memory_space<semaphore_mem>>) src(%dma_wait3A_28 : memref<80x128xi32, #tpu.memory_space<hbm>>) dst(%arg6 : memref<80x128xi32, #tpu.memory_space<vmem>>)
    %dma_wait3A_29 = arith.constant 0 : i32
    %dma_wait3A_30 = arith.constant 0 : i32
    %dma_wait3A_31 = tpu.memref_slice %arg4[%arg1, %dma_wait3A_29, %dma_wait3A_30] : memref<16x160x128xi32, #tpu.memory_space<hbm>> -> memref<1x80x128xi32, #tpu.memory_space<hbm>>
    %dma_wait3A_32 = tpu.memref_squeeze %dma_wait3A_31 : memref<1x80x128xi32, #tpu.memory_space<hbm>> -> memref<80x128xi32, #tpu.memory_space<hbm>>
    %dma_wait3A_33 = arith.constant 0 : i32
    %dma_wait3A_34 = arith.constant 0 : i32
    %dma_wait3A_35 = tpu.memref_slice %arg4[%arg1, %dma_wait3A_33, %dma_wait3A_34] : memref<16x160x128xi32, #tpu.memory_space<hbm>> -> memref<1x80x128xi32, #tpu.memory_space<hbm>>
    %dma_wait3A_36 = tpu.memref_squeeze %dma_wait3A_35 : memref<1x80x128xi32, #tpu.memory_space<hbm>> -> memref<80x128xi32, #tpu.memory_space<hbm>>
    tpu.wait_dma2 semaphore(%arg12 : memref<!tpu.dma_semaphore, #tpu.memory_space<semaphore_mem>>) src(%dma_wait3A_36 : memref<80x128xi32, #tpu.memory_space<hbm>>) dst(%arg7 : memref<80x128xi32, #tpu.memory_space<vmem>>)
    %dma_start3A_37 = arith.constant 0 : i32
    %dma_start3A_38 = arith.constant 0 : i32
    %dma_start3A_39 = tpu.memref_slice %arg6[%dma_start3A_37, %dma_start3A_38] : memref<80x128xi32, #tpu.memory_space<vmem>> -> memref<1x128xi32, #tpu.memory_space<vmem>>
    %dma_start3A_40 = tpu.memref_squeeze %dma_start3A_39 : memref<1x128xi32, #tpu.memory_space<vmem>> -> memref<128xi32, #tpu.memory_space<vmem>>
    %dma_start3A_41 = arith.constant 0 : i32
    %dma_start3A_42 = arith.constant 0 : i32
    %dma_start3A_43 = tpu.memref_slice %arg10[%dma_start3A_41, %dma_start3A_42] : memref<10240x64xf32, #tpu.memory_space<vmem_shared>> -> memref<10240x64xf32, #tpu.memory_space<vmem_shared>>
    tpu.enqueue_indirect_dma source(%dma_start3A_43 : memref<10240x64xf32, #tpu.memory_space<vmem_shared>>) target(%arg8 : memref<128x64xf32, #tpu.memory_space<vmem>>) offsets(%dma_start3A_40 : memref<128xi32, #tpu.memory_space<vmem>>) semaphore(%arg13 : memref<!tpu.dma_semaphore, #tpu.memory_space<semaphore_mem>>)
    %dma_start3A_44 = arith.constant 1 : i32
    %dma_start3A_45 = arith.constant 0 : i32
    %dma_start3A_46 = tpu.memref_slice %arg6[%dma_start3A_44, %dma_start3A_45] : memref<80x128xi32, #tpu.memory_space<vmem>> -> memref<1x128xi32, #tpu.memory_space<vmem>>
    %dma_start3A_47 = tpu.memref_squeeze %dma_start3A_46 : memref<1x128xi32, #tpu.memory_space<vmem>> -> memref<128xi32, #tpu.memory_space<vmem>>
    %dma_start3A_48 = arith.constant 0 : i32
    %dma_start3A_49 = arith.constant 0 : i32
    %dma_start3A_50 = tpu.memref_slice %arg10[%dma_start3A_48, %dma_start3A_49] : memref<10240x64xf32, #tpu.memory_space<vmem_shared>> -> memref<10240x64xf32, #tpu.memory_space<vmem_shared>>
    tpu.enqueue_indirect_dma source(%dma_start3A_50 : memref<10240x64xf32, #tpu.memory_space<vmem_shared>>) target(%arg9 : memref<128x64xf32, #tpu.memory_space<vmem>>) offsets(%dma_start3A_47 : memref<128xi32, #tpu.memory_space<vmem>>) semaphore(%arg14 : memref<!tpu.dma_semaphore, #tpu.memory_space<semaphore_mem>>)
    %scan3A = arith.constant 0 : i32
    %scan3A_51 = arith.constant 0 : i32
    %scan3A_52 = arith.constant 39 : i32
    %scan3A_53 = arith.addi %scan3A_51, %scan3A_52 : i32
    %scan3A_54 = arith.constant 1 : i32
    %scan3A_55 = scf.for %scan3A_146 = %scan3A_51 to %scan3A_53 step %scan3A_54 iter_args(%scan3A_147 = %scan3A) -> (i32)  : i32 {
      %mul3A_148 = arith.constant 2 : i32
      %mul3A_149 = arith.muli %mul3A_148, %scan3A_146 : i32
      %dma_wait3A_150 = arith.constant 0 : i32
      %dma_wait3A_151 = tpu.memref_slice %arg6[%mul3A_149, %dma_wait3A_150] : memref<80x128xi32, #tpu.memory_space<vmem>> -> memref<1x128xi32, #tpu.memory_space<vmem>>
      %dma_wait3A_152 = tpu.memref_squeeze %dma_wait3A_151 : memref<1x128xi32, #tpu.memory_space<vmem>> -> memref<128xi32, #tpu.memory_space<vmem>>
      %dma_wait3A_153 = arith.constant 0 : i32
      %dma_wait3A_154 = arith.constant 0 : i32
      %dma_wait3A_155 = tpu.memref_slice %arg10[%dma_wait3A_153, %dma_wait3A_154] : memref<10240x64xf32, #tpu.memory_space<vmem_shared>> -> memref<10240x64xf32, #tpu.memory_space<vmem_shared>>
      tpu.wait_indirect_dma semaphore(%arg13 : memref<!tpu.dma_semaphore, #tpu.memory_space<semaphore_mem>>) src(%dma_wait3A_155 : memref<10240x64xf32, #tpu.memory_space<vmem_shared>>) dst(%arg8 : memref<128x64xf32, #tpu.memory_space<vmem>>)
      "tpu.region"() ({
        %run_scoped3A_182 = tpu.sem_alloc : memref<!tpu.dma_semaphore, #tpu.memory_space<semaphore_mem>>
        %dma_start3A_183 = arith.constant 0 : i32
        %dma_start3A_184 = tpu.memref_slice %arg7[%mul3A_149, %dma_start3A_183] : memref<80x128xi32, #tpu.memory_space<vmem>> -> memref<1x128xi32, #tpu.memory_space<vmem>>
        %dma_start3A_185 = tpu.memref_squeeze %dma_start3A_184 : memref<1x128xi32, #tpu.memory_space<vmem>> -> memref<128xi32, #tpu.memory_space<vmem>>
        %dma_start3A_186 = arith.constant 0 : i32
        %dma_start3A_187 = arith.constant 0 : i32
        %dma_start3A_188 = tpu.memref_slice %arg11[%dma_start3A_186, %dma_start3A_187] : memref<10240x64xf32, #tpu.memory_space<vmem_shared>> -> memref<10240x64xf32, #tpu.memory_space<vmem_shared>>
        tpu.enqueue_indirect_dma source(%arg8 : memref<128x64xf32, #tpu.memory_space<vmem>>) target(%dma_start3A_188 : memref<10240x64xf32, #tpu.memory_space<vmem_shared>>) offsets(%dma_start3A_185 : memref<128xi32, #tpu.memory_space<vmem>>) semaphore(%run_scoped3A_182 : memref<!tpu.dma_semaphore, #tpu.memory_space<semaphore_mem>>) {add = true}
        %dma_wait3A_189 = arith.constant 0 : i32
        %dma_wait3A_190 = tpu.memref_slice %arg7[%mul3A_149, %dma_wait3A_189] : memref<80x128xi32, #tpu.memory_space<vmem>> -> memref<1x128xi32, #tpu.memory_space<vmem>>
        %dma_wait3A_191 = tpu.memref_squeeze %dma_wait3A_190 : memref<1x128xi32, #tpu.memory_space<vmem>> -> memref<128xi32, #tpu.memory_space<vmem>>
        %dma_wait3A_192 = arith.constant 0 : i32
        %dma_wait3A_193 = arith.constant 0 : i32
        %dma_wait3A_194 = tpu.memref_slice %arg11[%dma_wait3A_192, %dma_wait3A_193] : memref<10240x64xf32, #tpu.memory_space<vmem_shared>> -> memref<10240x64xf32, #tpu.memory_space<vmem_shared>>
        tpu.wait_indirect_dma semaphore(%run_scoped3A_182 : memref<!tpu.dma_semaphore, #tpu.memory_space<semaphore_mem>>) src(%arg8 : memref<128x64xf32, #tpu.memory_space<vmem>>) dst(%dma_wait3A_194 : memref<10240x64xf32, #tpu.memory_space<vmem_shared>>)
        tpu.yield
      }) : () -> ()
      %add3A = arith.constant 2 : i32
      %add3A_156 = arith.addi %mul3A_149, %add3A : i32
      %dma_start3A_157 = arith.constant 0 : i32
      %dma_start3A_158 = tpu.memref_slice %arg6[%add3A_156, %dma_start3A_157] : memref<80x128xi32, #tpu.memory_space<vmem>> -> memref<1x128xi32, #tpu.memory_space<vmem>>
      %dma_start3A_159 = tpu.memref_squeeze %dma_start3A_158 : memref<1x128xi32, #tpu.memory_space<vmem>> -> memref<128xi32, #tpu.memory_space<vmem>>
      %dma_start3A_160 = arith.constant 0 : i32
      %dma_start3A_161 = arith.constant 0 : i32
      %dma_start3A_162 = tpu.memref_slice %arg10[%dma_start3A_160, %dma_start3A_161] : memref<10240x64xf32, #tpu.memory_space<vmem_shared>> -> memref<10240x64xf32, #tpu.memory_space<vmem_shared>>
      tpu.enqueue_indirect_dma source(%dma_start3A_162 : memref<10240x64xf32, #tpu.memory_space<vmem_shared>>) target(%arg8 : memref<128x64xf32, #tpu.memory_space<vmem>>) offsets(%dma_start3A_159 : memref<128xi32, #tpu.memory_space<vmem>>) semaphore(%arg13 : memref<!tpu.dma_semaphore, #tpu.memory_space<semaphore_mem>>)
      %add3A_163 = arith.constant 1 : i32
      %add3A_164 = arith.addi %mul3A_149, %add3A_163 : i32
      %dma_wait3A_165 = arith.constant 0 : i32
      %dma_wait3A_166 = tpu.memref_slice %arg6[%add3A_164, %dma_wait3A_165] : memref<80x128xi32, #tpu.memory_space<vmem>> -> memref<1x128xi32, #tpu.memory_space<vmem>>
      %dma_wait3A_167 = tpu.memref_squeeze %dma_wait3A_166 : memref<1x128xi32, #tpu.memory_space<vmem>> -> memref<128xi32, #tpu.memory_space<vmem>>
      %dma_wait3A_168 = arith.constant 0 : i32
      %dma_wait3A_169 = arith.constant 0 : i32
      %dma_wait3A_170 = tpu.memref_slice %arg10[%dma_wait3A_168, %dma_wait3A_169] : memref<10240x64xf32, #tpu.memory_space<vmem_shared>> -> memref<10240x64xf32, #tpu.memory_space<vmem_shared>>
      tpu.wait_indirect_dma semaphore(%arg14 : memref<!tpu.dma_semaphore, #tpu.memory_space<semaphore_mem>>) src(%dma_wait3A_170 : memref<10240x64xf32, #tpu.memory_space<vmem_shared>>) dst(%arg9 : memref<128x64xf32, #tpu.memory_space<vmem>>)
      %add3A_171 = arith.constant 1 : i32
      %add3A_172 = arith.addi %mul3A_149, %add3A_171 : i32
      "tpu.region"() ({
        %run_scoped3A_182 = tpu.sem_alloc : memref<!tpu.dma_semaphore, #tpu.memory_space<semaphore_mem>>
        %dma_start3A_183 = arith.constant 0 : i32
        %dma_start3A_184 = tpu.memref_slice %arg7[%add3A_172, %dma_start3A_183] : memref<80x128xi32, #tpu.memory_space<vmem>> -> memref<1x128xi32, #tpu.memory_space<vmem>>
        %dma_start3A_185 = tpu.memref_squeeze %dma_start3A_184 : memref<1x128xi32, #tpu.memory_space<vmem>> -> memref<128xi32, #tpu.memory_space<vmem>>
        %dma_start3A_186 = arith.constant 0 : i32
        %dma_start3A_187 = arith.constant 0 : i32
        %dma_start3A_188 = tpu.memref_slice %arg11[%dma_start3A_186, %dma_start3A_187] : memref<10240x64xf32, #tpu.memory_space<vmem_shared>> -> memref<10240x64xf32, #tpu.memory_space<vmem_shared>>
        tpu.enqueue_indirect_dma source(%arg9 : memref<128x64xf32, #tpu.memory_space<vmem>>) target(%dma_start3A_188 : memref<10240x64xf32, #tpu.memory_space<vmem_shared>>) offsets(%dma_start3A_185 : memref<128xi32, #tpu.memory_space<vmem>>) semaphore(%run_scoped3A_182 : memref<!tpu.dma_semaphore, #tpu.memory_space<semaphore_mem>>) {add = true}
        %dma_wait3A_189 = arith.constant 0 : i32
        %dma_wait3A_190 = tpu.memref_slice %arg7[%add3A_172, %dma_wait3A_189] : memref<80x128xi32, #tpu.memory_space<vmem>> -> memref<1x128xi32, #tpu.memory_space<vmem>>
        %dma_wait3A_191 = tpu.memref_squeeze %dma_wait3A_190 : memref<1x128xi32, #tpu.memory_space<vmem>> -> memref<128xi32, #tpu.memory_space<vmem>>
        %dma_wait3A_192 = arith.constant 0 : i32
        %dma_wait3A_193 = arith.constant 0 : i32
        %dma_wait3A_194 = tpu.memref_slice %arg11[%dma_wait3A_192, %dma_wait3A_193] : memref<10240x64xf32, #tpu.memory_space<vmem_shared>> -> memref<10240x64xf32, #tpu.memory_space<vmem_shared>>
        tpu.wait_indirect_dma semaphore(%run_scoped3A_182 : memref<!tpu.dma_semaphore, #tpu.memory_space<semaphore_mem>>) src(%arg9 : memref<128x64xf32, #tpu.memory_space<vmem>>) dst(%dma_wait3A_194 : memref<10240x64xf32, #tpu.memory_space<vmem_shared>>)
        tpu.yield
      }) : () -> ()
      %add3A_173 = arith.constant 3 : i32
      %add3A_174 = arith.addi %mul3A_149, %add3A_173 : i32
      %dma_start3A_175 = arith.constant 0 : i32
      %dma_start3A_176 = tpu.memref_slice %arg6[%add3A_174, %dma_start3A_175] : memref<80x128xi32, #tpu.memory_space<vmem>> -> memref<1x128xi32, #tpu.memory_space<vmem>>
      %dma_start3A_177 = tpu.memref_squeeze %dma_start3A_176 : memref<1x128xi32, #tpu.memory_space<vmem>> -> memref<128xi32, #tpu.memory_space<vmem>>
      %dma_start3A_178 = arith.constant 0 : i32
      %dma_start3A_179 = arith.constant 0 : i32
      %dma_start3A_180 = tpu.memref_slice %arg10[%dma_start3A_178, %dma_start3A_179] : memref<10240x64xf32, #tpu.memory_space<vmem_shared>> -> memref<10240x64xf32, #tpu.memory_space<vmem_shared>>
      tpu.enqueue_indirect_dma source(%dma_start3A_180 : memref<10240x64xf32, #tpu.memory_space<vmem_shared>>) target(%arg9 : memref<128x64xf32, #tpu.memory_space<vmem>>) offsets(%dma_start3A_177 : memref<128xi32, #tpu.memory_space<vmem>>) semaphore(%arg14 : memref<!tpu.dma_semaphore, #tpu.memory_space<semaphore_mem>>)
      %scan3A_181 = arith.constant 0 : i32
      scf.yield %scan3A_181 : i32
    }
    %scan3A_56 = arith.constant 39 : i32
    %dma_wait3A_57 = arith.constant 78 : i32
    %dma_wait3A_58 = arith.constant 0 : i32
    %dma_wait3A_59 = tpu.memref_slice %arg6[%dma_wait3A_57, %dma_wait3A_58] : memref<80x128xi32, #tpu.memory_space<vmem>> -> memref<1x128xi32, #tpu.memory_space<vmem>>
    %dma_wait3A_60 = tpu.memref_squeeze %dma_wait3A_59 : memref<1x128xi32, #tpu.memory_space<vmem>> -> memref<128xi32, #tpu.memory_space<vmem>>
    %dma_wait3A_61 = arith.constant 0 : i32
    %dma_wait3A_62 = arith.constant 0 : i32
    %dma_wait3A_63 = tpu.memref_slice %arg10[%dma_wait3A_61, %dma_wait3A_62] : memref<10240x64xf32, #tpu.memory_space<vmem_shared>> -> memref<10240x64xf32, #tpu.memory_space<vmem_shared>>
    tpu.wait_indirect_dma semaphore(%arg13 : memref<!tpu.dma_semaphore, #tpu.memory_space<semaphore_mem>>) src(%dma_wait3A_63 : memref<10240x64xf32, #tpu.memory_space<vmem_shared>>) dst(%arg8 : memref<128x64xf32, #tpu.memory_space<vmem>>)
    %run_scoped3A = arith.constant 78 : i32
    "tpu.region"() ({
      %run_scoped3A_146 = tpu.sem_alloc : memref<!tpu.dma_semaphore, #tpu.memory_space<semaphore_mem>>
      %dma_start3A_147 = arith.constant 0 : i32
      %dma_start3A_148 = tpu.memref_slice %arg7[%run_scoped3A, %dma_start3A_147] : memref<80x128xi32, #tpu.memory_space<vmem>> -> memref<1x128xi32, #tpu.memory_space<vmem>>
      %dma_start3A_149 = tpu.memref_squeeze %dma_start3A_148 : memref<1x128xi32, #tpu.memory_space<vmem>> -> memref<128xi32, #tpu.memory_space<vmem>>
      %dma_start3A_150 = arith.constant 0 : i32
      %dma_start3A_151 = arith.constant 0 : i32
      %dma_start3A_152 = tpu.memref_slice %arg11[%dma_start3A_150, %dma_start3A_151] : memref<10240x64xf32, #tpu.memory_space<vmem_shared>> -> memref<10240x64xf32, #tpu.memory_space<vmem_shared>>
      tpu.enqueue_indirect_dma source(%arg8 : memref<128x64xf32, #tpu.memory_space<vmem>>) target(%dma_start3A_152 : memref<10240x64xf32, #tpu.memory_space<vmem_shared>>) offsets(%dma_start3A_149 : memref<128xi32, #tpu.memory_space<vmem>>) semaphore(%run_scoped3A_146 : memref<!tpu.dma_semaphore, #tpu.memory_space<semaphore_mem>>) {add = true}
      %dma_wait3A_153 = arith.constant 0 : i32
      %dma_wait3A_154 = tpu.memref_slice %arg7[%run_scoped3A, %dma_wait3A_153] : memref<80x128xi32, #tpu.memory_space<vmem>> -> memref<1x128xi32, #tpu.memory_space<vmem>>
      %dma_wait3A_155 = tpu.memref_squeeze %dma_wait3A_154 : memref<1x128xi32, #tpu.memory_space<vmem>> -> memref<128xi32, #tpu.memory_space<vmem>>
      %dma_wait3A_156 = arith.constant 0 : i32
      %dma_wait3A_157 = arith.constant 0 : i32
      %dma_wait3A_158 = tpu.memref_slice %arg11[%dma_wait3A_156, %dma_wait3A_157] : memref<10240x64xf32, #tpu.memory_space<vmem_shared>> -> memref<10240x64xf32, #tpu.memory_space<vmem_shared>>
      tpu.wait_indirect_dma semaphore(%run_scoped3A_146 : memref<!tpu.dma_semaphore, #tpu.memory_space<semaphore_mem>>) src(%arg8 : memref<128x64xf32, #tpu.memory_space<vmem>>) dst(%dma_wait3A_158 : memref<10240x64xf32, #tpu.memory_space<vmem_shared>>)
      tpu.yield
    }) : () -> ()
    %dma_wait3A_64 = arith.constant 79 : i32
    %dma_wait3A_65 = arith.constant 0 : i32
    %dma_wait3A_66 = tpu.memref_slice %arg6[%dma_wait3A_64, %dma_wait3A_65] : memref<80x128xi32, #tpu.memory_space<vmem>> -> memref<1x128xi32, #tpu.memory_space<vmem>>
    %dma_wait3A_67 = tpu.memref_squeeze %dma_wait3A_66 : memref<1x128xi32, #tpu.memory_space<vmem>> -> memref<128xi32, #tpu.memory_space<vmem>>
    %dma_wait3A_68 = arith.constant 0 : i32
    %dma_wait3A_69 = arith.constant 0 : i32
    %dma_wait3A_70 = tpu.memref_slice %arg10[%dma_wait3A_68, %dma_wait3A_69] : memref<10240x64xf32, #tpu.memory_space<vmem_shared>> -> memref<10240x64xf32, #tpu.memory_space<vmem_shared>>
    tpu.wait_indirect_dma semaphore(%arg14 : memref<!tpu.dma_semaphore, #tpu.memory_space<semaphore_mem>>) src(%dma_wait3A_70 : memref<10240x64xf32, #tpu.memory_space<vmem_shared>>) dst(%arg9 : memref<128x64xf32, #tpu.memory_space<vmem>>)
    %run_scoped3A_71 = arith.constant 79 : i32
    "tpu.region"() ({
      %run_scoped3A_146 = tpu.sem_alloc : memref<!tpu.dma_semaphore, #tpu.memory_space<semaphore_mem>>
      %dma_start3A_147 = arith.constant 0 : i32
      %dma_start3A_148 = tpu.memref_slice %arg7[%run_scoped3A_71, %dma_start3A_147] : memref<80x128xi32, #tpu.memory_space<vmem>> -> memref<1x128xi32, #tpu.memory_space<vmem>>
      %dma_start3A_149 = tpu.memref_squeeze %dma_start3A_148 : memref<1x128xi32, #tpu.memory_space<vmem>> -> memref<128xi32, #tpu.memory_space<vmem>>
      %dma_start3A_150 = arith.constant 0 : i32
      %dma_start3A_151 = arith.constant 0 : i32
      %dma_start3A_152 = tpu.memref_slice %arg11[%dma_start3A_150, %dma_start3A_151] : memref<10240x64xf32, #tpu.memory_space<vmem_shared>> -> memref<10240x64xf32, #tpu.memory_space<vmem_shared>>
      tpu.enqueue_indirect_dma source(%arg9 : memref<128x64xf32, #tpu.memory_space<vmem>>) target(%dma_start3A_152 : memref<10240x64xf32, #tpu.memory_space<vmem_shared>>) offsets(%dma_start3A_149 : memref<128xi32, #tpu.memory_space<vmem>>) semaphore(%run_scoped3A_146 : memref<!tpu.dma_semaphore, #tpu.memory_space<semaphore_mem>>) {add = true}
      %dma_wait3A_153 = arith.constant 0 : i32
      %dma_wait3A_154 = tpu.memref_slice %arg7[%run_scoped3A_71, %dma_wait3A_153] : memref<80x128xi32, #tpu.memory_space<vmem>> -> memref<1x128xi32, #tpu.memory_space<vmem>>
      %dma_wait3A_155 = tpu.memref_squeeze %dma_wait3A_154 : memref<1x128xi32, #tpu.memory_space<vmem>> -> memref<128xi32, #tpu.memory_space<vmem>>
      %dma_wait3A_156 = arith.constant 0 : i32
      %dma_wait3A_157 = arith.constant 0 : i32
      %dma_wait3A_158 = tpu.memref_slice %arg11[%dma_wait3A_156, %dma_wait3A_157] : memref<10240x64xf32, #tpu.memory_space<vmem_shared>> -> memref<10240x64xf32, #tpu.memory_space<vmem_shared>>
      tpu.wait_indirect_dma semaphore(%run_scoped3A_146 : memref<!tpu.dma_semaphore, #tpu.memory_space<semaphore_mem>>) src(%arg9 : memref<128x64xf32, #tpu.memory_space<vmem>>) dst(%dma_wait3A_158 : memref<10240x64xf32, #tpu.memory_space<vmem_shared>>)
      tpu.yield
    }) : () -> ()
    %dma_start3A_72 = arith.constant 80 : i32
    %dma_start3A_73 = arith.constant 0 : i32
    %dma_start3A_74 = tpu.memref_slice %arg3[%arg1, %dma_start3A_72, %dma_start3A_73] : memref<16x160x128xi32, #tpu.memory_space<hbm>> -> memref<1x80x128xi32, #tpu.memory_space<hbm>>
    %dma_start3A_75 = tpu.memref_squeeze %dma_start3A_74 : memref<1x80x128xi32, #tpu.memory_space<hbm>> -> memref<80x128xi32, #tpu.memory_space<hbm>>
    %dma_start3A_76 = arith.constant 80 : i32
    %dma_start3A_77 = arith.constant 0 : i32
    %dma_start3A_78 = tpu.memref_slice %arg3[%arg1, %dma_start3A_76, %dma_start3A_77] : memref<16x160x128xi32, #tpu.memory_space<hbm>> -> memref<1x80x128xi32, #tpu.memory_space<hbm>>
    %dma_start3A_79 = tpu.memref_squeeze %dma_start3A_78 : memref<1x80x128xi32, #tpu.memory_space<hbm>> -> memref<80x128xi32, #tpu.memory_space<hbm>>
    tpu.enqueue_dma source(%dma_start3A_79 : memref<80x128xi32, #tpu.memory_space<hbm>>) target(%arg6 : memref<80x128xi32, #tpu.memory_space<vmem>>) target_semaphore(%arg12 : memref<!tpu.dma_semaphore, #tpu.memory_space<semaphore_mem>>)
    %dma_start3A_80 = arith.constant 80 : i32
    %dma_start3A_81 = arith.constant 0 : i32
    %dma_start3A_82 = tpu.memref_slice %arg4[%arg1, %dma_start3A_80, %dma_start3A_81] : memref<16x160x128xi32, #tpu.memory_space<hbm>> -> memref<1x80x128xi32, #tpu.memory_space<hbm>>
    %dma_start3A_83 = tpu.memref_squeeze %dma_start3A_82 : memref<1x80x128xi32, #tpu.memory_space<hbm>> -> memref<80x128xi32, #tpu.memory_space<hbm>>
    %dma_start3A_84 = arith.constant 80 : i32
    %dma_start3A_85 = arith.constant 0 : i32
    %dma_start3A_86 = tpu.memref_slice %arg4[%arg1, %dma_start3A_84, %dma_start3A_85] : memref<16x160x128xi32, #tpu.memory_space<hbm>> -> memref<1x80x128xi32, #tpu.memory_space<hbm>>
    %dma_start3A_87 = tpu.memref_squeeze %dma_start3A_86 : memref<1x80x128xi32, #tpu.memory_space<hbm>> -> memref<80x128xi32, #tpu.memory_space<hbm>>
    tpu.enqueue_dma source(%dma_start3A_87 : memref<80x128xi32, #tpu.memory_space<hbm>>) target(%arg7 : memref<80x128xi32, #tpu.memory_space<vmem>>) target_semaphore(%arg12 : memref<!tpu.dma_semaphore, #tpu.memory_space<semaphore_mem>>)
    %dma_wait3A_88 = arith.constant 80 : i32
    %dma_wait3A_89 = arith.constant 0 : i32
    %dma_wait3A_90 = tpu.memref_slice %arg3[%arg1, %dma_wait3A_88, %dma_wait3A_89] : memref<16x160x128xi32, #tpu.memory_space<hbm>> -> memref<1x80x128xi32, #tpu.memory_space<hbm>>
    %dma_wait3A_91 = tpu.memref_squeeze %dma_wait3A_90 : memref<1x80x128xi32, #tpu.memory_space<hbm>> -> memref<80x128xi32, #tpu.memory_space<hbm>>
    %dma_wait3A_92 = arith.constant 80 : i32
    %dma_wait3A_93 = arith.constant 0 : i32
    %dma_wait3A_94 = tpu.memref_slice %arg3[%arg1, %dma_wait3A_92, %dma_wait3A_93] : memref<16x160x128xi32, #tpu.memory_space<hbm>> -> memref<1x80x128xi32, #tpu.memory_space<hbm>>
    %dma_wait3A_95 = tpu.memref_squeeze %dma_wait3A_94 : memref<1x80x128xi32, #tpu.memory_space<hbm>> -> memref<80x128xi32, #tpu.memory_space<hbm>>
    tpu.wait_dma2 semaphore(%arg12 : memref<!tpu.dma_semaphore, #tpu.memory_space<semaphore_mem>>) src(%dma_wait3A_95 : memref<80x128xi32, #tpu.memory_space<hbm>>) dst(%arg6 : memref<80x128xi32, #tpu.memory_space<vmem>>)
    %dma_wait3A_96 = arith.constant 80 : i32
    %dma_wait3A_97 = arith.constant 0 : i32
    %dma_wait3A_98 = tpu.memref_slice %arg4[%arg1, %dma_wait3A_96, %dma_wait3A_97] : memref<16x160x128xi32, #tpu.memory_space<hbm>> -> memref<1x80x128xi32, #tpu.memory_space<hbm>>
    %dma_wait3A_99 = tpu.memref_squeeze %dma_wait3A_98 : memref<1x80x128xi32, #tpu.memory_space<hbm>> -> memref<80x128xi32, #tpu.memory_space<hbm>>
    %dma_wait3A_100 = arith.constant 80 : i32
    %dma_wait3A_101 = arith.constant 0 : i32
    %dma_wait3A_102 = tpu.memref_slice %arg4[%arg1, %dma_wait3A_100, %dma_wait3A_101] : memref<16x160x128xi32, #tpu.memory_space<hbm>> -> memref<1x80x128xi32, #tpu.memory_space<hbm>>
    %dma_wait3A_103 = tpu.memref_squeeze %dma_wait3A_102 : memref<1x80x128xi32, #tpu.memory_space<hbm>> -> memref<80x128xi32, #tpu.memory_space<hbm>>
    tpu.wait_dma2 semaphore(%arg12 : memref<!tpu.dma_semaphore, #tpu.memory_space<semaphore_mem>>) src(%dma_wait3A_103 : memref<80x128xi32, #tpu.memory_space<hbm>>) dst(%arg7 : memref<80x128xi32, #tpu.memory_space<vmem>>)
    %dma_start3A_104 = arith.constant 0 : i32
    %dma_start3A_105 = arith.constant 0 : i32
    %dma_start3A_106 = tpu.memref_slice %arg6[%dma_start3A_104, %dma_start3A_105] : memref<80x128xi32, #tpu.memory_space<vmem>> -> memref<1x128xi32, #tpu.memory_space<vmem>>
    %dma_start3A_107 = tpu.memref_squeeze %dma_start3A_106 : memref<1x128xi32, #tpu.memory_space<vmem>> -> memref<128xi32, #tpu.memory_space<vmem>>
    %dma_start3A_108 = arith.constant 0 : i32
    %dma_start3A_109 = arith.constant 0 : i32
    %dma_start3A_110 = tpu.memref_slice %arg10[%dma_start3A_108, %dma_start3A_109] : memref<10240x64xf32, #tpu.memory_space<vmem_shared>> -> memref<10240x64xf32, #tpu.memory_space<vmem_shared>>
    tpu.enqueue_indirect_dma source(%dma_start3A_110 : memref<10240x64xf32, #tpu.memory_space<vmem_shared>>) target(%arg8 : memref<128x64xf32, #tpu.memory_space<vmem>>) offsets(%dma_start3A_107 : memref<128xi32, #tpu.memory_space<vmem>>) semaphore(%arg13 : memref<!tpu.dma_semaphore, #tpu.memory_space<semaphore_mem>>)
    %dma_start3A_111 = arith.constant 1 : i32
    %dma_start3A_112 = arith.constant 0 : i32
    %dma_start3A_113 = tpu.memref_slice %arg6[%dma_start3A_111, %dma_start3A_112] : memref<80x128xi32, #tpu.memory_space<vmem>> -> memref<1x128xi32, #tpu.memory_space<vmem>>
    %dma_start3A_114 = tpu.memref_squeeze %dma_start3A_113 : memref<1x128xi32, #tpu.memory_space<vmem>> -> memref<128xi32, #tpu.memory_space<vmem>>
    %dma_start3A_115 = arith.constant 0 : i32
    %dma_start3A_116 = arith.constant 0 : i32
    %dma_start3A_117 = tpu.memref_slice %arg10[%dma_start3A_115, %dma_start3A_116] : memref<10240x64xf32, #tpu.memory_space<vmem_shared>> -> memref<10240x64xf32, #tpu.memory_space<vmem_shared>>
    tpu.enqueue_indirect_dma source(%dma_start3A_117 : memref<10240x64xf32, #tpu.memory_space<vmem_shared>>) target(%arg9 : memref<128x64xf32, #tpu.memory_space<vmem>>) offsets(%dma_start3A_114 : memref<128xi32, #tpu.memory_space<vmem>>) semaphore(%arg14 : memref<!tpu.dma_semaphore, #tpu.memory_space<semaphore_mem>>)
    %scan3A_118 = arith.constant 0 : i32
    %scan3A_119 = arith.constant 0 : i32
    %scan3A_120 = arith.constant 39 : i32
    %scan3A_121 = arith.addi %scan3A_119, %scan3A_120 : i32
    %scan3A_122 = arith.constant 1 : i32
    %scan3A_123 = scf.for %scan3A_146 = %scan3A_119 to %scan3A_121 step %scan3A_122 iter_args(%scan3A_147 = %scan3A_118) -> (i32)  : i32 {
      %mul3A_148 = arith.constant 2 : i32
      %mul3A_149 = arith.muli %mul3A_148, %scan3A_146 : i32
      %dma_wait3A_150 = arith.constant 0 : i32
      %dma_wait3A_151 = tpu.memref_slice %arg6[%mul3A_149, %dma_wait3A_150] : memref<80x128xi32, #tpu.memory_space<vmem>> -> memref<1x128xi32, #tpu.memory_space<vmem>>
      %dma_wait3A_152 = tpu.memref_squeeze %dma_wait3A_151 : memref<1x128xi32, #tpu.memory_space<vmem>> -> memref<128xi32, #tpu.memory_space<vmem>>
      %dma_wait3A_153 = arith.constant 0 : i32
      %dma_wait3A_154 = arith.constant 0 : i32
      %dma_wait3A_155 = tpu.memref_slice %arg10[%dma_wait3A_153, %dma_wait3A_154] : memref<10240x64xf32, #tpu.memory_space<vmem_shared>> -> memref<10240x64xf32, #tpu.memory_space<vmem_shared>>
      tpu.wait_indirect_dma semaphore(%arg13 : memref<!tpu.dma_semaphore, #tpu.memory_space<semaphore_mem>>) src(%dma_wait3A_155 : memref<10240x64xf32, #tpu.memory_space<vmem_shared>>) dst(%arg8 : memref<128x64xf32, #tpu.memory_space<vmem>>)
      "tpu.region"() ({
        %run_scoped3A_182 = tpu.sem_alloc : memref<!tpu.dma_semaphore, #tpu.memory_space<semaphore_mem>>
        %dma_start3A_183 = arith.constant 0 : i32
        %dma_start3A_184 = tpu.memref_slice %arg7[%mul3A_149, %dma_start3A_183] : memref<80x128xi32, #tpu.memory_space<vmem>> -> memref<1x128xi32, #tpu.memory_space<vmem>>
        %dma_start3A_185 = tpu.memref_squeeze %dma_start3A_184 : memref<1x128xi32, #tpu.memory_space<vmem>> -> memref<128xi32, #tpu.memory_space<vmem>>
        %dma_start3A_186 = arith.constant 0 : i32
        %dma_start3A_187 = arith.constant 0 : i32
        %dma_start3A_188 = tpu.memref_slice %arg11[%dma_start3A_186, %dma_start3A_187] : memref<10240x64xf32, #tpu.memory_space<vmem_shared>> -> memref<10240x64xf32, #tpu.memory_space<vmem_shared>>
        tpu.enqueue_indirect_dma source(%arg8 : memref<128x64xf32, #tpu.memory_space<vmem>>) target(%dma_start3A_188 : memref<10240x64xf32, #tpu.memory_space<vmem_shared>>) offsets(%dma_start3A_185 : memref<128xi32, #tpu.memory_space<vmem>>) semaphore(%run_scoped3A_182 : memref<!tpu.dma_semaphore, #tpu.memory_space<semaphore_mem>>) {add = true}
        %dma_wait3A_189 = arith.constant 0 : i32
        %dma_wait3A_190 = tpu.memref_slice %arg7[%mul3A_149, %dma_wait3A_189] : memref<80x128xi32, #tpu.memory_space<vmem>> -> memref<1x128xi32, #tpu.memory_space<vmem>>
        %dma_wait3A_191 = tpu.memref_squeeze %dma_wait3A_190 : memref<1x128xi32, #tpu.memory_space<vmem>> -> memref<128xi32, #tpu.memory_space<vmem>>
        %dma_wait3A_192 = arith.constant 0 : i32
        %dma_wait3A_193 = arith.constant 0 : i32
        %dma_wait3A_194 = tpu.memref_slice %arg11[%dma_wait3A_192, %dma_wait3A_193] : memref<10240x64xf32, #tpu.memory_space<vmem_shared>> -> memref<10240x64xf32, #tpu.memory_space<vmem_shared>>
        tpu.wait_indirect_dma semaphore(%run_scoped3A_182 : memref<!tpu.dma_semaphore, #tpu.memory_space<semaphore_mem>>) src(%arg8 : memref<128x64xf32, #tpu.memory_space<vmem>>) dst(%dma_wait3A_194 : memref<10240x64xf32, #tpu.memory_space<vmem_shared>>)
        tpu.yield
      }) : () -> ()
      %add3A = arith.constant 2 : i32
      %add3A_156 = arith.addi %mul3A_149, %add3A : i32
      %dma_start3A_157 = arith.constant 0 : i32
      %dma_start3A_158 = tpu.memref_slice %arg6[%add3A_156, %dma_start3A_157] : memref<80x128xi32, #tpu.memory_space<vmem>> -> memref<1x128xi32, #tpu.memory_space<vmem>>
      %dma_start3A_159 = tpu.memref_squeeze %dma_start3A_158 : memref<1x128xi32, #tpu.memory_space<vmem>> -> memref<128xi32, #tpu.memory_space<vmem>>
      %dma_start3A_160 = arith.constant 0 : i32
      %dma_start3A_161 = arith.constant 0 : i32
      %dma_start3A_162 = tpu.memref_slice %arg10[%dma_start3A_160, %dma_start3A_161] : memref<10240x64xf32, #tpu.memory_space<vmem_shared>> -> memref<10240x64xf32, #tpu.memory_space<vmem_shared>>
      tpu.enqueue_indirect_dma source(%dma_start3A_162 : memref<10240x64xf32, #tpu.memory_space<vmem_shared>>) target(%arg8 : memref<128x64xf32, #tpu.memory_space<vmem>>) offsets(%dma_start3A_159 : memref<128xi32, #tpu.memory_space<vmem>>) semaphore(%arg13 : memref<!tpu.dma_semaphore, #tpu.memory_space<semaphore_mem>>)
      %add3A_163 = arith.constant 1 : i32
      %add3A_164 = arith.addi %mul3A_149, %add3A_163 : i32
      %dma_wait3A_165 = arith.constant 0 : i32
      %dma_wait3A_166 = tpu.memref_slice %arg6[%add3A_164, %dma_wait3A_165] : memref<80x128xi32, #tpu.memory_space<vmem>> -> memref<1x128xi32, #tpu.memory_space<vmem>>
      %dma_wait3A_167 = tpu.memref_squeeze %dma_wait3A_166 : memref<1x128xi32, #tpu.memory_space<vmem>> -> memref<128xi32, #tpu.memory_space<vmem>>
      %dma_wait3A_168 = arith.constant 0 : i32
      %dma_wait3A_169 = arith.constant 0 : i32
      %dma_wait3A_170 = tpu.memref_slice %arg10[%dma_wait3A_168, %dma_wait3A_169] : memref<10240x64xf32, #tpu.memory_space<vmem_shared>> -> memref<10240x64xf32, #tpu.memory_space<vmem_shared>>
      tpu.wait_indirect_dma semaphore(%arg14 : memref<!tpu.dma_semaphore, #tpu.memory_space<semaphore_mem>>) src(%dma_wait3A_170 : memref<10240x64xf32, #tpu.memory_space<vmem_shared>>) dst(%arg9 : memref<128x64xf32, #tpu.memory_space<vmem>>)
      %add3A_171 = arith.constant 1 : i32
      %add3A_172 = arith.addi %mul3A_149, %add3A_171 : i32
      "tpu.region"() ({
        %run_scoped3A_182 = tpu.sem_alloc : memref<!tpu.dma_semaphore, #tpu.memory_space<semaphore_mem>>
        %dma_start3A_183 = arith.constant 0 : i32
        %dma_start3A_184 = tpu.memref_slice %arg7[%add3A_172, %dma_start3A_183] : memref<80x128xi32, #tpu.memory_space<vmem>> -> memref<1x128xi32, #tpu.memory_space<vmem>>
        %dma_start3A_185 = tpu.memref_squeeze %dma_start3A_184 : memref<1x128xi32, #tpu.memory_space<vmem>> -> memref<128xi32, #tpu.memory_space<vmem>>
        %dma_start3A_186 = arith.constant 0 : i32
        %dma_start3A_187 = arith.constant 0 : i32
        %dma_start3A_188 = tpu.memref_slice %arg11[%dma_start3A_186, %dma_start3A_187] : memref<10240x64xf32, #tpu.memory_space<vmem_shared>> -> memref<10240x64xf32, #tpu.memory_space<vmem_shared>>
        tpu.enqueue_indirect_dma source(%arg9 : memref<128x64xf32, #tpu.memory_space<vmem>>) target(%dma_start3A_188 : memref<10240x64xf32, #tpu.memory_space<vmem_shared>>) offsets(%dma_start3A_185 : memref<128xi32, #tpu.memory_space<vmem>>) semaphore(%run_scoped3A_182 : memref<!tpu.dma_semaphore, #tpu.memory_space<semaphore_mem>>) {add = true}
        %dma_wait3A_189 = arith.constant 0 : i32
        %dma_wait3A_190 = tpu.memref_slice %arg7[%add3A_172, %dma_wait3A_189] : memref<80x128xi32, #tpu.memory_space<vmem>> -> memref<1x128xi32, #tpu.memory_space<vmem>>
        %dma_wait3A_191 = tpu.memref_squeeze %dma_wait3A_190 : memref<1x128xi32, #tpu.memory_space<vmem>> -> memref<128xi32, #tpu.memory_space<vmem>>
        %dma_wait3A_192 = arith.constant 0 : i32
        %dma_wait3A_193 = arith.constant 0 : i32
        %dma_wait3A_194 = tpu.memref_slice %arg11[%dma_wait3A_192, %dma_wait3A_193] : memref<10240x64xf32, #tpu.memory_space<vmem_shared>> -> memref<10240x64xf32, #tpu.memory_space<vmem_shared>>
        tpu.wait_indirect_dma semaphore(%run_scoped3A_182 : memref<!tpu.dma_semaphore, #tpu.memory_space<semaphore_mem>>) src(%arg9 : memref<128x64xf32, #tpu.memory_space<vmem>>) dst(%dma_wait3A_194 : memref<10240x64xf32, #tpu.memory_space<vmem_shared>>)
        tpu.yield
      }) : () -> ()
      %add3A_173 = arith.constant 3 : i32
      %add3A_174 = arith.addi %mul3A_149, %add3A_173 : i32
      %dma_start3A_175 = arith.constant 0 : i32
      %dma_start3A_176 = tpu.memref_slice %arg6[%add3A_174, %dma_start3A_175] : memref<80x128xi32, #tpu.memory_space<vmem>> -> memref<1x128xi32, #tpu.memory_space<vmem>>
      %dma_start3A_177 = tpu.memref_squeeze %dma_start3A_176 : memref<1x128xi32, #tpu.memory_space<vmem>> -> memref<128xi32, #tpu.memory_space<vmem>>
      %dma_start3A_178 = arith.constant 0 : i32
      %dma_start3A_179 = arith.constant 0 : i32
      %dma_start3A_180 = tpu.memref_slice %arg10[%dma_start3A_178, %dma_start3A_179] : memref<10240x64xf32, #tpu.memory_space<vmem_shared>> -> memref<10240x64xf32, #tpu.memory_space<vmem_shared>>
      tpu.enqueue_indirect_dma source(%dma_start3A_180 : memref<10240x64xf32, #tpu.memory_space<vmem_shared>>) target(%arg9 : memref<128x64xf32, #tpu.memory_space<vmem>>) offsets(%dma_start3A_177 : memref<128xi32, #tpu.memory_space<vmem>>) semaphore(%arg14 : memref<!tpu.dma_semaphore, #tpu.memory_space<semaphore_mem>>)
      %scan3A_181 = arith.constant 0 : i32
      scf.yield %scan3A_181 : i32
    }
    %scan3A_124 = arith.constant 39 : i32
    %dma_wait3A_125 = arith.constant 78 : i32
    %dma_wait3A_126 = arith.constant 0 : i32
    %dma_wait3A_127 = tpu.memref_slice %arg6[%dma_wait3A_125, %dma_wait3A_126] : memref<80x128xi32, #tpu.memory_space<vmem>> -> memref<1x128xi32, #tpu.memory_space<vmem>>
    %dma_wait3A_128 = tpu.memref_squeeze %dma_wait3A_127 : memref<1x128xi32, #tpu.memory_space<vmem>> -> memref<128xi32, #tpu.memory_space<vmem>>
    %dma_wait3A_129 = arith.constant 0 : i32
    %dma_wait3A_130 = arith.constant 0 : i32
    %dma_wait3A_131 = tpu.memref_slice %arg10[%dma_wait3A_129, %dma_wait3A_130] : memref<10240x64xf32, #tpu.memory_space<vmem_shared>> -> memref<10240x64xf32, #tpu.memory_space<vmem_shared>>
    tpu.wait_indirect_dma semaphore(%arg13 : memref<!tpu.dma_semaphore, #tpu.memory_space<semaphore_mem>>) src(%dma_wait3A_131 : memref<10240x64xf32, #tpu.memory_space<vmem_shared>>) dst(%arg8 : memref<128x64xf32, #tpu.memory_space<vmem>>)
    %run_scoped3A_132 = arith.constant 78 : i32
    "tpu.region"() ({
      %run_scoped3A_146 = tpu.sem_alloc : memref<!tpu.dma_semaphore, #tpu.memory_space<semaphore_mem>>
      %dma_start3A_147 = arith.constant 0 : i32
      %dma_start3A_148 = tpu.memref_slice %arg7[%run_scoped3A_132, %dma_start3A_147] : memref<80x128xi32, #tpu.memory_space<vmem>> -> memref<1x128xi32, #tpu.memory_space<vmem>>
      %dma_start3A_149 = tpu.memref_squeeze %dma_start3A_148 : memref<1x128xi32, #tpu.memory_space<vmem>> -> memref<128xi32, #tpu.memory_space<vmem>>
      %dma_start3A_150 = arith.constant 0 : i32
      %dma_start3A_151 = arith.constant 0 : i32
      %dma_start3A_152 = tpu.memref_slice %arg11[%dma_start3A_150, %dma_start3A_151] : memref<10240x64xf32, #tpu.memory_space<vmem_shared>> -> memref<10240x64xf32, #tpu.memory_space<vmem_shared>>
      tpu.enqueue_indirect_dma source(%arg8 : memref<128x64xf32, #tpu.memory_space<vmem>>) target(%dma_start3A_152 : memref<10240x64xf32, #tpu.memory_space<vmem_shared>>) offsets(%dma_start3A_149 : memref<128xi32, #tpu.memory_space<vmem>>) semaphore(%run_scoped3A_146 : memref<!tpu.dma_semaphore, #tpu.memory_space<semaphore_mem>>) {add = true}
      %dma_wait3A_153 = arith.constant 0 : i32
      %dma_wait3A_154 = tpu.memref_slice %arg7[%run_scoped3A_132, %dma_wait3A_153] : memref<80x128xi32, #tpu.memory_space<vmem>> -> memref<1x128xi32, #tpu.memory_space<vmem>>
      %dma_wait3A_155 = tpu.memref_squeeze %dma_wait3A_154 : memref<1x128xi32, #tpu.memory_space<vmem>> -> memref<128xi32, #tpu.memory_space<vmem>>
      %dma_wait3A_156 = arith.constant 0 : i32
      %dma_wait3A_157 = arith.constant 0 : i32
      %dma_wait3A_158 = tpu.memref_slice %arg11[%dma_wait3A_156, %dma_wait3A_157] : memref<10240x64xf32, #tpu.memory_space<vmem_shared>> -> memref<10240x64xf32, #tpu.memory_space<vmem_shared>>
      tpu.wait_indirect_dma semaphore(%run_scoped3A_146 : memref<!tpu.dma_semaphore, #tpu.memory_space<semaphore_mem>>) src(%arg8 : memref<128x64xf32, #tpu.memory_space<vmem>>) dst(%dma_wait3A_158 : memref<10240x64xf32, #tpu.memory_space<vmem_shared>>)
      tpu.yield
    }) : () -> ()
    %dma_wait3A_133 = arith.constant 79 : i32
    %dma_wait3A_134 = arith.constant 0 : i32
    %dma_wait3A_135 = tpu.memref_slice %arg6[%dma_wait3A_133, %dma_wait3A_134] : memref<80x128xi32, #tpu.memory_space<vmem>> -> memref<1x128xi32, #tpu.memory_space<vmem>>
    %dma_wait3A_136 = tpu.memref_squeeze %dma_wait3A_135 : memref<1x128xi32, #tpu.memory_space<vmem>> -> memref<128xi32, #tpu.memory_space<vmem>>
    %dma_wait3A_137 = arith.constant 0 : i32
    %dma_wait3A_138 = arith.constant 0 : i32
    %dma_wait3A_139 = tpu.memref_slice %arg10[%dma_wait3A_137, %dma_wait3A_138] : memref<10240x64xf32, #tpu.memory_space<vmem_shared>> -> memref<10240x64xf32, #tpu.memory_space<vmem_shared>>
    tpu.wait_indirect_dma semaphore(%arg14 : memref<!tpu.dma_semaphore, #tpu.memory_space<semaphore_mem>>) src(%dma_wait3A_139 : memref<10240x64xf32, #tpu.memory_space<vmem_shared>>) dst(%arg9 : memref<128x64xf32, #tpu.memory_space<vmem>>)
    %run_scoped3A_140 = arith.constant 79 : i32
    "tpu.region"() ({
      %run_scoped3A_146 = tpu.sem_alloc : memref<!tpu.dma_semaphore, #tpu.memory_space<semaphore_mem>>
      %dma_start3A_147 = arith.constant 0 : i32
      %dma_start3A_148 = tpu.memref_slice %arg7[%run_scoped3A_140, %dma_start3A_147] : memref<80x128xi32, #tpu.memory_space<vmem>> -> memref<1x128xi32, #tpu.memory_space<vmem>>
      %dma_start3A_149 = tpu.memref_squeeze %dma_start3A_148 : memref<1x128xi32, #tpu.memory_space<vmem>> -> memref<128xi32, #tpu.memory_space<vmem>>
      %dma_start3A_150 = arith.constant 0 : i32
      %dma_start3A_151 = arith.constant 0 : i32
      %dma_start3A_152 = tpu.memref_slice %arg11[%dma_start3A_150, %dma_start3A_151] : memref<10240x64xf32, #tpu.memory_space<vmem_shared>> -> memref<10240x64xf32, #tpu.memory_space<vmem_shared>>
      tpu.enqueue_indirect_dma source(%arg9 : memref<128x64xf32, #tpu.memory_space<vmem>>) target(%dma_start3A_152 : memref<10240x64xf32, #tpu.memory_space<vmem_shared>>) offsets(%dma_start3A_149 : memref<128xi32, #tpu.memory_space<vmem>>) semaphore(%run_scoped3A_146 : memref<!tpu.dma_semaphore, #tpu.memory_space<semaphore_mem>>) {add = true}
      %dma_wait3A_153 = arith.constant 0 : i32
      %dma_wait3A_154 = tpu.memref_slice %arg7[%run_scoped3A_140, %dma_wait3A_153] : memref<80x128xi32, #tpu.memory_space<vmem>> -> memref<1x128xi32, #tpu.memory_space<vmem>>
      %dma_wait3A_155 = tpu.memref_squeeze %dma_wait3A_154 : memref<1x128xi32, #tpu.memory_space<vmem>> -> memref<128xi32, #tpu.memory_space<vmem>>
      %dma_wait3A_156 = arith.constant 0 : i32
      %dma_wait3A_157 = arith.constant 0 : i32
      %dma_wait3A_158 = tpu.memref_slice %arg11[%dma_wait3A_156, %dma_wait3A_157] : memref<10240x64xf32, #tpu.memory_space<vmem_shared>> -> memref<10240x64xf32, #tpu.memory_space<vmem_shared>>
      tpu.wait_indirect_dma semaphore(%run_scoped3A_146 : memref<!tpu.dma_semaphore, #tpu.memory_space<semaphore_mem>>) src(%arg9 : memref<128x64xf32, #tpu.memory_space<vmem>>) dst(%dma_wait3A_158 : memref<10240x64xf32, #tpu.memory_space<vmem_shared>>)
      tpu.yield
    }) : () -> ()
    %barrier3A_141 = arith.constant 0 : index
    tpu.barrier barrier_id(%barrier3A_141)
    %mul3A_142 = arith.constant 640 : i32
    %mul3A_143 = arith.muli %arg1, %mul3A_142 : i32
    %mul3A_144 = arith.constant 640 : i32
    %mul3A_145 = arith.muli %arg1, %mul3A_144 : i32
    "tpu.region"() ({
      %run_scoped3A_146 = tpu.sem_alloc : memref<!tpu.dma_semaphore, #tpu.memory_space<semaphore_mem>>
      %dma_start3A_147 = arith.constant 0 : i32
      %dma_start3A_148 = tpu.memref_slice %arg5[%arg0, %mul3A_145, %dma_start3A_147] : memref<2x10240x64xf32, #tpu.memory_space<hbm>> -> memref<1x640x64xf32, #tpu.memory_space<hbm>>
      %dma_start3A_149 = tpu.memref_squeeze %dma_start3A_148 : memref<1x640x64xf32, #tpu.memory_space<hbm>> -> memref<640x64xf32, #tpu.memory_space<hbm>>
      %dma_start3A_150 = arith.constant 0 : i32
      %dma_start3A_151 = tpu.memref_slice %arg11[%mul3A_143, %dma_start3A_150] : memref<10240x64xf32, #tpu.memory_space<vmem_shared>> -> memref<640x64xf32, #tpu.memory_space<vmem_shared>>
      tpu.enqueue_dma source(%dma_start3A_151 : memref<640x64xf32, #tpu.memory_space<vmem_shared>>) target(%dma_start3A_149 : memref<640x64xf32, #tpu.memory_space<hbm>>) target_semaphore(%run_scoped3A_146 : memref<!tpu.dma_semaphore, #tpu.memory_space<semaphore_mem>>)
      %dma_wait3A_152 = arith.constant 0 : i32
      %dma_wait3A_153 = tpu.memref_slice %arg5[%arg0, %mul3A_145, %dma_wait3A_152] : memref<2x10240x64xf32, #tpu.memory_space<hbm>> -> memref<1x640x64xf32, #tpu.memory_space<hbm>>
      %dma_wait3A_154 = tpu.memref_squeeze %dma_wait3A_153 : memref<1x640x64xf32, #tpu.memory_space<hbm>> -> memref<640x64xf32, #tpu.memory_space<hbm>>
      %dma_wait3A_155 = arith.constant 0 : i32
      %dma_wait3A_156 = tpu.memref_slice %arg11[%mul3A_143, %dma_wait3A_155] : memref<10240x64xf32, #tpu.memory_space<vmem_shared>> -> memref<640x64xf32, #tpu.memory_space<vmem_shared>>
      tpu.wait_dma2 semaphore(%run_scoped3A_146 : memref<!tpu.dma_semaphore, #tpu.memory_space<semaphore_mem>>) src(%dma_wait3A_156 : memref<640x64xf32, #tpu.memory_space<vmem_shared>>) dst(%dma_wait3A_154 : memref<640x64xf32, #tpu.memory_space<hbm>>)
      tpu.yield
    }) : () -> ()
    return
  }
}

module attributes {stable_mosaic.version = 14 : i64} {
  func.func @_bnmm_body(%arg0: memref<10000x128xf32, #tpu.memory_space<vmem>>, %arg1: memref<128x128xf32, #tpu.memory_space<vmem>>, %arg2: memref<1x128xf32, #tpu.memory_space<vmem>>, %arg3: memref<1x128xf32, #tpu.memory_space<vmem>>, %arg4: memref<10000x128xf32, #tpu.memory_space<vmem>>) attributes {dimension_semantics = [], scalar_prefetch = 0 : i64, scratch_operands = 0 : i64, tpu.core_type = #tpu.core_type<tc>} {
    %get3A = arith.constant 0 : index
    %get3A_0 = arith.constant 0 : index
    %get3A_1 = vector.load %arg0[%get3A, %get3A_0] : memref<10000x128xf32, #tpu.memory_space<vmem>>, vector<10000x128xf32>
    %reduce_sum3A = arith.constant dense<0.000000e+00> : vector<128xf32>
    %reduce_sum3A_2 = vector.multi_reduction <add>, %get3A_1, %reduce_sum3A [0] : vector<10000x128xf32> to vector<128xf32>
    %broadcast_in_dim3A = vector.shape_cast %reduce_sum3A_2 : vector<128xf32> to vector<1x128xf32>
    %div3A = arith.constant 1.000000e+04 : f32
    %div3A_3 = vector.broadcast %div3A : f32 to vector<1x128xf32>
    %div3A_4 = arith.divf %broadcast_in_dim3A, %div3A_3 : vector<1x128xf32>
    %sub3A = vector.broadcast %div3A_4 : vector<1x128xf32> to vector<10000x128xf32>
    %sub3A_5 = arith.subf %get3A_1, %sub3A : vector<10000x128xf32>
    %mul3A = arith.mulf %sub3A_5, %sub3A_5 : vector<10000x128xf32>
    %reduce_sum3A_6 = arith.constant dense<0.000000e+00> : vector<128xf32>
    %reduce_sum3A_7 = vector.multi_reduction <add>, %mul3A, %reduce_sum3A_6 [0] : vector<10000x128xf32> to vector<128xf32>
    %broadcast_in_dim3A_8 = vector.shape_cast %reduce_sum3A_7 : vector<128xf32> to vector<1x128xf32>
    %div3A_9 = arith.constant 1.000000e+04 : f32
    %div3A_10 = vector.broadcast %div3A_9 : f32 to vector<1x128xf32>
    %div3A_11 = arith.divf %broadcast_in_dim3A_8, %div3A_10 : vector<1x128xf32>
    %add3A = arith.constant 9.99999974E-6 : f32
    %add3A_12 = vector.broadcast %add3A : f32 to vector<1x128xf32>
    %add3A_13 = arith.addf %div3A_11, %add3A_12 : vector<1x128xf32>
    %rsqrt3A = math.rsqrt %add3A_13 : vector<1x128xf32>
    %mul3A_14 = vector.broadcast %rsqrt3A : vector<1x128xf32> to vector<10000x128xf32>
    %mul3A_15 = arith.mulf %sub3A_5, %mul3A_14 : vector<10000x128xf32>
    %get3A_16 = arith.constant 0 : index
    %get3A_17 = arith.constant 0 : index
    %get3A_18 = vector.load %arg2[%get3A_16, %get3A_17] : memref<1x128xf32, #tpu.memory_space<vmem>>, vector<1x128xf32>
    %mul3A_19 = vector.broadcast %get3A_18 : vector<1x128xf32> to vector<10000x128xf32>
    %mul3A_20 = arith.mulf %mul3A_15, %mul3A_19 : vector<10000x128xf32>
    %get3A_21 = arith.constant 0 : index
    %get3A_22 = arith.constant 0 : index
    %get3A_23 = vector.load %arg3[%get3A_21, %get3A_22] : memref<1x128xf32, #tpu.memory_space<vmem>>, vector<1x128xf32>
    %add3A_24 = vector.broadcast %get3A_23 : vector<1x128xf32> to vector<10000x128xf32>
    %add3A_25 = arith.addf %mul3A_20, %add3A_24 : vector<10000x128xf32>
    %get3A_26 = arith.constant 0 : index
    %get3A_27 = arith.constant 0 : index
    %get3A_28 = vector.load %arg1[%get3A_26, %get3A_27] : memref<128x128xf32, #tpu.memory_space<vmem>>, vector<128x128xf32>
    %dot_general3A = arith.constant dense<0.000000e+00> : vector<10000x128xf32>
    %dot_general3A_29 = tpu.matmul %add3A_25, %get3A_28, %dot_general3A {dimension_numbers = #tpu.dot_dimension_numbers<[1], [0], [0], [1], [0, 0, 1, 1], [], []>, transpose_lhs_hint = false} : vector<10000x128xf32>, vector<128x128xf32>, vector<10000x128xf32> -> vector<10000x128xf32>
    %swap3A = arith.constant 0 : index
    %swap3A_30 = arith.constant 0 : index
    %swap3A_31 = vector.load %arg4[%swap3A, %swap3A_30] : memref<10000x128xf32, #tpu.memory_space<vmem>>, vector<10000x128xf32>
    tpu.vector_store %arg4[%swap3A, %swap3A_30], %dot_general3A_29 {strides = array<i32>} : memref<10000x128xf32, #tpu.memory_space<vmem>>, vector<10000x128xf32>,
    return
  }
}

module attributes {stable_mosaic.version = 14 : i64} {
  func.func @_scale_body(%arg0: memref<10000x128xf32, #tpu.memory_space<vmem>>, %arg1: memref<10000x1xf32, #tpu.memory_space<vmem>>, %arg2: memref<2x10240x64xf32, #tpu.memory_space<vmem>>) attributes {dimension_semantics = [], scalar_prefetch = 0 : i64, scratch_operands = 0 : i64, tpu.core_type = #tpu.core_type<tc>} {
    %get3A = arith.constant 0 : index
    %get3A_0 = arith.constant 0 : index
    %get3A_1 = vector.load %arg1[%get3A, %get3A_0] : memref<10000x1xf32, #tpu.memory_space<vmem>>, vector<10000x1xf32>
    %add3A = arith.constant 1.000000e+00 : f32
    %add3A_2 = vector.broadcast %add3A : f32 to vector<10000x1xf32>
    %add3A_3 = arith.addf %get3A_1, %add3A_2 : vector<10000x1xf32>
    %rsqrt3A = math.rsqrt %add3A_3 : vector<10000x1xf32>
    %get3A_4 = arith.constant 0 : index
    %get3A_5 = arith.constant 0 : index
    %get3A_6 = vector.load %arg0[%get3A_4, %get3A_5] : memref<10000x128xf32, #tpu.memory_space<vmem>>, vector<10000x128xf32>
    %mul3A = vector.broadcast %rsqrt3A : vector<10000x1xf32> to vector<10000x128xf32>
    %mul3A_7 = arith.mulf %get3A_6, %mul3A : vector<10000x128xf32>
    %slice3A = vector.extract_strided_slice %mul3A_7 {offsets = [0, 0], sizes = [10000, 64], strides = [1, 1]} : vector<10000x128xf32> to vector<10000x64xf32>
    %swap3A = arith.constant 0 : index
    %swap3A_8 = arith.constant 0 : index
    %swap3A_9 = arith.constant 0 : index
    %swap3A_10 = vector.load %arg2[%swap3A, %swap3A_8, %swap3A_9] : memref<2x10240x64xf32, #tpu.memory_space<vmem>>, vector<1x10000x64xf32>
    %swap3A_11 = vector.shape_cast %swap3A_10 : vector<1x10000x64xf32> to vector<10000x64xf32>
    %swap3A_12 = vector.shape_cast %slice3A : vector<10000x64xf32> to vector<1x10000x64xf32>
    tpu.vector_store %arg2[%swap3A, %swap3A_8, %swap3A_9], %swap3A_12 {strides = array<i32>} : memref<2x10240x64xf32, #tpu.memory_space<vmem>>, vector<1x10000x64xf32>,
    %slice3A_13 = vector.extract_strided_slice %mul3A_7 {offsets = [0, 64], sizes = [10000, 64], strides = [1, 1]} : vector<10000x128xf32> to vector<10000x64xf32>
    %swap3A_14 = arith.constant 1 : index
    %swap3A_15 = arith.constant 0 : index
    %swap3A_16 = arith.constant 0 : index
    %swap3A_17 = vector.load %arg2[%swap3A_14, %swap3A_15, %swap3A_16] : memref<2x10240x64xf32, #tpu.memory_space<vmem>>, vector<1x10000x64xf32>
    %swap3A_18 = vector.shape_cast %swap3A_17 : vector<1x10000x64xf32> to vector<10000x64xf32>
    %swap3A_19 = vector.shape_cast %slice3A_13 : vector<10000x64xf32> to vector<1x10000x64xf32>
    tpu.vector_store %arg2[%swap3A_14, %swap3A_15, %swap3A_16], %swap3A_19 {strides = array<i32>} : memref<2x10240x64xf32, #tpu.memory_space<vmem>>, vector<1x10000x64xf32>,
    %broadcast_in_dim3A = arith.constant 0.000000e+00 : f32
    %broadcast_in_dim3A_20 = vector.broadcast %broadcast_in_dim3A : f32 to vector<240x64xf32>
    %swap3A_21 = arith.constant 0 : index
    %swap3A_22 = arith.constant 10000 : index
    %swap3A_23 = arith.constant 0 : index
    %swap3A_24 = vector.load %arg2[%swap3A_21, %swap3A_22, %swap3A_23] : memref<2x10240x64xf32, #tpu.memory_space<vmem>>, vector<1x240x64xf32>
    %swap3A_25 = vector.shape_cast %swap3A_24 : vector<1x240x64xf32> to vector<240x64xf32>
    %swap3A_26 = vector.shape_cast %broadcast_in_dim3A_20 : vector<240x64xf32> to vector<1x240x64xf32>
    tpu.vector_store %arg2[%swap3A_21, %swap3A_22, %swap3A_23], %swap3A_26 {strides = array<i32>} : memref<2x10240x64xf32, #tpu.memory_space<vmem>>, vector<1x240x64xf32>,
    %broadcast_in_dim3A_27 = arith.constant 0.000000e+00 : f32
    %broadcast_in_dim3A_28 = vector.broadcast %broadcast_in_dim3A_27 : f32 to vector<240x64xf32>
    %swap3A_29 = arith.constant 1 : index
    %swap3A_30 = arith.constant 10000 : index
    %swap3A_31 = arith.constant 0 : index
    %swap3A_32 = vector.load %arg2[%swap3A_29, %swap3A_30, %swap3A_31] : memref<2x10240x64xf32, #tpu.memory_space<vmem>>, vector<1x240x64xf32>
    %swap3A_33 = vector.shape_cast %swap3A_32 : vector<1x240x64xf32> to vector<240x64xf32>
    %swap3A_34 = vector.shape_cast %broadcast_in_dim3A_28 : vector<240x64xf32> to vector<1x240x64xf32>
    tpu.vector_store %arg2[%swap3A_29, %swap3A_30, %swap3A_31], %swap3A_34 {strides = array<i32>} : memref<2x10240x64xf32, #tpu.memory_space<vmem>>, vector<1x240x64xf32>,
    return
  }
}

module attributes {stable_mosaic.version = 14 : i64} {
  func.func @_mid_body(%arg0: memref<2x10240x64xf32, #tpu.memory_space<vmem>>, %arg1: memref<10000x1xf32, #tpu.memory_space<vmem>>, %arg2: memref<1x128xf32, #tpu.memory_space<vmem>>, %arg3: memref<10000x128xf32, #tpu.memory_space<vmem>>, %arg4: memref<1x128xf32, #tpu.memory_space<vmem>>, %arg5: memref<1x128xf32, #tpu.memory_space<vmem>>, %arg6: memref<128x128xf32, #tpu.memory_space<vmem>>, %arg7: memref<2x10240x64xf32, #tpu.memory_space<vmem>>) attributes {dimension_semantics = [], scalar_prefetch = 0 : i64, scratch_operands = 0 : i64, tpu.core_type = #tpu.core_type<tc>} {
    %get3A = arith.constant 0 : index
    %get3A_0 = arith.constant 0 : index
    %get3A_1 = vector.load %arg1[%get3A, %get3A_0] : memref<10000x1xf32, #tpu.memory_space<vmem>>, vector<10000x1xf32>
    %add3A = arith.constant 1.000000e+00 : f32
    %add3A_2 = vector.broadcast %add3A : f32 to vector<10000x1xf32>
    %add3A_3 = arith.addf %get3A_1, %add3A_2 : vector<10000x1xf32>
    %rsqrt3A = math.rsqrt %add3A_3 : vector<10000x1xf32>
    %get3A_4 = arith.constant 0 : index
    %get3A_5 = arith.constant 0 : index
    %get3A_6 = arith.constant 0 : index
    %get3A_7 = vector.load %arg0[%get3A_4, %get3A_5, %get3A_6] : memref<2x10240x64xf32, #tpu.memory_space<vmem>>, vector<1x10000x64xf32>
    %get3A_8 = vector.shape_cast %get3A_7 : vector<1x10000x64xf32> to vector<10000x64xf32>
    %get3A_9 = arith.constant 1 : index
    %get3A_10 = arith.constant 0 : index
    %get3A_11 = arith.constant 0 : index
    %get3A_12 = vector.load %arg0[%get3A_9, %get3A_10, %get3A_11] : memref<2x10240x64xf32, #tpu.memory_space<vmem>>, vector<1x10000x64xf32>
    %get3A_13 = vector.shape_cast %get3A_12 : vector<1x10000x64xf32> to vector<10000x64xf32>
    %concatenate3A = tpu.concatenate %get3A_8, %get3A_13 in 1 : vector<10000x64xf32>, vector<10000x64xf32> -> vector<10000x128xf32>
    %mul3A = vector.broadcast %rsqrt3A : vector<10000x1xf32> to vector<10000x128xf32>
    %mul3A_14 = arith.mulf %concatenate3A, %mul3A : vector<10000x128xf32>
    %get3A_15 = arith.constant 0 : index
    %get3A_16 = arith.constant 0 : index
    %get3A_17 = vector.load %arg2[%get3A_15, %get3A_16] : memref<1x128xf32, #tpu.memory_space<vmem>>, vector<1x128xf32>
    %add3A_18 = vector.broadcast %get3A_17 : vector<1x128xf32> to vector<10000x128xf32>
    %add3A_19 = arith.addf %mul3A_14, %add3A_18 : vector<10000x128xf32>
    %max3A = arith.constant 0.000000e+00 : f32
    %max3A_20 = vector.broadcast %max3A : f32 to vector<10000x128xf32>
    %max3A_21 = arith.maximumf %add3A_19, %max3A_20 : vector<10000x128xf32>
    %get3A_22 = arith.constant 0 : index
    %get3A_23 = arith.constant 0 : index
    %get3A_24 = vector.load %arg3[%get3A_22, %get3A_23] : memref<10000x128xf32, #tpu.memory_space<vmem>>, vector<10000x128xf32>
    %mul3A_25 = arith.mulf %max3A_21, %get3A_24 : vector<10000x128xf32>
    %reduce_sum3A = arith.constant dense<0.000000e+00> : vector<128xf32>
    %reduce_sum3A_26 = vector.multi_reduction <add>, %mul3A_25, %reduce_sum3A [0] : vector<10000x128xf32> to vector<128xf32>
    %broadcast_in_dim3A = vector.shape_cast %reduce_sum3A_26 : vector<128xf32> to vector<1x128xf32>
    %div3A = arith.constant 1.000000e+04 : f32
    %div3A_27 = vector.broadcast %div3A : f32 to vector<1x128xf32>
    %div3A_28 = arith.divf %broadcast_in_dim3A, %div3A_27 : vector<1x128xf32>
    %sub3A = vector.broadcast %div3A_28 : vector<1x128xf32> to vector<10000x128xf32>
    %sub3A_29 = arith.subf %mul3A_25, %sub3A : vector<10000x128xf32>
    %mul3A_30 = arith.mulf %sub3A_29, %sub3A_29 : vector<10000x128xf32>
    %reduce_sum3A_31 = arith.constant dense<0.000000e+00> : vector<128xf32>
    %reduce_sum3A_32 = vector.multi_reduction <add>, %mul3A_30, %reduce_sum3A_31 [0] : vector<10000x128xf32> to vector<128xf32>
    %broadcast_in_dim3A_33 = vector.shape_cast %reduce_sum3A_32 : vector<128xf32> to vector<1x128xf32>
    %div3A_34 = arith.constant 1.000000e+04 : f32
    %div3A_35 = vector.broadcast %div3A_34 : f32 to vector<1x128xf32>
    %div3A_36 = arith.divf %broadcast_in_dim3A_33, %div3A_35 : vector<1x128xf32>
    %add3A_37 = arith.constant 9.99999974E-6 : f32
    %add3A_38 = vector.broadcast %add3A_37 : f32 to vector<1x128xf32>
    %add3A_39 = arith.addf %div3A_36, %add3A_38 : vector<1x128xf32>
    %rsqrt3A_40 = math.rsqrt %add3A_39 : vector<1x128xf32>
    %mul3A_41 = vector.broadcast %rsqrt3A_40 : vector<1x128xf32> to vector<10000x128xf32>
    %mul3A_42 = arith.mulf %sub3A_29, %mul3A_41 : vector<10000x128xf32>
    %get3A_43 = arith.constant 0 : index
    %get3A_44 = arith.constant 0 : index
    %get3A_45 = vector.load %arg4[%get3A_43, %get3A_44] : memref<1x128xf32, #tpu.memory_space<vmem>>, vector<1x128xf32>
    %mul3A_46 = vector.broadcast %get3A_45 : vector<1x128xf32> to vector<10000x128xf32>
    %mul3A_47 = arith.mulf %mul3A_42, %mul3A_46 : vector<10000x128xf32>
    %get3A_48 = arith.constant 0 : index
    %get3A_49 = arith.constant 0 : index
    %get3A_50 = vector.load %arg5[%get3A_48, %get3A_49] : memref<1x128xf32, #tpu.memory_space<vmem>>, vector<1x128xf32>
    %add3A_51 = vector.broadcast %get3A_50 : vector<1x128xf32> to vector<10000x128xf32>
    %add3A_52 = arith.addf %mul3A_47, %add3A_51 : vector<10000x128xf32>
    %get3A_53 = arith.constant 0 : index
    %get3A_54 = arith.constant 0 : index
    %get3A_55 = vector.load %arg6[%get3A_53, %get3A_54] : memref<128x128xf32, #tpu.memory_space<vmem>>, vector<128x128xf32>
    %dot_general3A = arith.constant dense<0.000000e+00> : vector<10000x128xf32>
    %dot_general3A_56 = tpu.matmul %add3A_52, %get3A_55, %dot_general3A {dimension_numbers = #tpu.dot_dimension_numbers<[1], [0], [0], [1], [0, 0, 1, 1], [], []>, transpose_lhs_hint = false} : vector<10000x128xf32>, vector<128x128xf32>, vector<10000x128xf32> -> vector<10000x128xf32>
    %mul3A_57 = vector.broadcast %rsqrt3A : vector<10000x1xf32> to vector<10000x128xf32>
    %mul3A_58 = arith.mulf %dot_general3A_56, %mul3A_57 : vector<10000x128xf32>
    %slice3A = vector.extract_strided_slice %mul3A_58 {offsets = [0, 0], sizes = [10000, 64], strides = [1, 1]} : vector<10000x128xf32> to vector<10000x64xf32>
    %swap3A = arith.constant 0 : index
    %swap3A_59 = arith.constant 0 : index
    %swap3A_60 = arith.constant 0 : index
    %swap3A_61 = vector.load %arg7[%swap3A, %swap3A_59, %swap3A_60] : memref<2x10240x64xf32, #tpu.memory_space<vmem>>, vector<1x10000x64xf32>
    %swap3A_62 = vector.shape_cast %swap3A_61 : vector<1x10000x64xf32> to vector<10000x64xf32>
    %swap3A_63 = vector.shape_cast %slice3A : vector<10000x64xf32> to vector<1x10000x64xf32>
    tpu.vector_store %arg7[%swap3A, %swap3A_59, %swap3A_60], %swap3A_63 {strides = array<i32>} : memref<2x10240x64xf32, #tpu.memory_space<vmem>>, vector<1x10000x64xf32>,
    %slice3A_64 = vector.extract_strided_slice %mul3A_58 {offsets = [0, 64], sizes = [10000, 64], strides = [1, 1]} : vector<10000x128xf32> to vector<10000x64xf32>
    %swap3A_65 = arith.constant 1 : index
    %swap3A_66 = arith.constant 0 : index
    %swap3A_67 = arith.constant 0 : index
    %swap3A_68 = vector.load %arg7[%swap3A_65, %swap3A_66, %swap3A_67] : memref<2x10240x64xf32, #tpu.memory_space<vmem>>, vector<1x10000x64xf32>
    %swap3A_69 = vector.shape_cast %swap3A_68 : vector<1x10000x64xf32> to vector<10000x64xf32>
    %swap3A_70 = vector.shape_cast %slice3A_64 : vector<10000x64xf32> to vector<1x10000x64xf32>
    tpu.vector_store %arg7[%swap3A_65, %swap3A_66, %swap3A_67], %swap3A_70 {strides = array<i32>} : memref<2x10240x64xf32, #tpu.memory_space<vmem>>, vector<1x10000x64xf32>,
    %broadcast_in_dim3A_71 = arith.constant 0.000000e+00 : f32
    %broadcast_in_dim3A_72 = vector.broadcast %broadcast_in_dim3A_71 : f32 to vector<240x64xf32>
    %swap3A_73 = arith.constant 0 : index
    %swap3A_74 = arith.constant 10000 : index
    %swap3A_75 = arith.constant 0 : index
    %swap3A_76 = vector.load %arg7[%swap3A_73, %swap3A_74, %swap3A_75] : memref<2x10240x64xf32, #tpu.memory_space<vmem>>, vector<1x240x64xf32>
    %swap3A_77 = vector.shape_cast %swap3A_76 : vector<1x240x64xf32> to vector<240x64xf32>
    %swap3A_78 = vector.shape_cast %broadcast_in_dim3A_72 : vector<240x64xf32> to vector<1x240x64xf32>
    tpu.vector_store %arg7[%swap3A_73, %swap3A_74, %swap3A_75], %swap3A_78 {strides = array<i32>} : memref<2x10240x64xf32, #tpu.memory_space<vmem>>, vector<1x240x64xf32>,
    %broadcast_in_dim3A_79 = arith.constant 0.000000e+00 : f32
    %broadcast_in_dim3A_80 = vector.broadcast %broadcast_in_dim3A_79 : f32 to vector<240x64xf32>
    %swap3A_81 = arith.constant 1 : index
    %swap3A_82 = arith.constant 10000 : index
    %swap3A_83 = arith.constant 0 : index
    %swap3A_84 = vector.load %arg7[%swap3A_81, %swap3A_82, %swap3A_83] : memref<2x10240x64xf32, #tpu.memory_space<vmem>>, vector<1x240x64xf32>
    %swap3A_85 = vector.shape_cast %swap3A_84 : vector<1x240x64xf32> to vector<240x64xf32>
    %swap3A_86 = vector.shape_cast %broadcast_in_dim3A_80 : vector<240x64xf32> to vector<1x240x64xf32>
    tpu.vector_store %arg7[%swap3A_81, %swap3A_82, %swap3A_83], %swap3A_86 {strides = array<i32>} : memref<2x10240x64xf32, #tpu.memory_space<vmem>>, vector<1x240x64xf32>,
    return
  }
}

module attributes {stable_mosaic.version = 14 : i64} {
  func.func @_fin_body(%arg0: memref<2x10240x64xf32, #tpu.memory_space<vmem>>, %arg1: memref<10000x1xf32, #tpu.memory_space<vmem>>, %arg2: memref<1x128xf32, #tpu.memory_space<vmem>>, %arg3: memref<10000x128xf32, #tpu.memory_space<vmem>>, %arg4: memref<10000x128xf32, #tpu.memory_space<vmem>>) attributes {dimension_semantics = [], scalar_prefetch = 0 : i64, scratch_operands = 0 : i64, tpu.core_type = #tpu.core_type<tc>} {
    %get3A = arith.constant 0 : index
    %get3A_0 = arith.constant 0 : index
    %get3A_1 = vector.load %arg1[%get3A, %get3A_0] : memref<10000x1xf32, #tpu.memory_space<vmem>>, vector<10000x1xf32>
    %add3A = arith.constant 1.000000e+00 : f32
    %add3A_2 = vector.broadcast %add3A : f32 to vector<10000x1xf32>
    %add3A_3 = arith.addf %get3A_1, %add3A_2 : vector<10000x1xf32>
    %rsqrt3A = math.rsqrt %add3A_3 : vector<10000x1xf32>
    %get3A_4 = arith.constant 0 : index
    %get3A_5 = arith.constant 0 : index
    %get3A_6 = arith.constant 0 : index
    %get3A_7 = vector.load %arg0[%get3A_4, %get3A_5, %get3A_6] : memref<2x10240x64xf32, #tpu.memory_space<vmem>>, vector<1x10000x64xf32>
    %get3A_8 = vector.shape_cast %get3A_7 : vector<1x10000x64xf32> to vector<10000x64xf32>
    %get3A_9 = arith.constant 1 : index
    %get3A_10 = arith.constant 0 : index
    %get3A_11 = arith.constant 0 : index
    %get3A_12 = vector.load %arg0[%get3A_9, %get3A_10, %get3A_11] : memref<2x10240x64xf32, #tpu.memory_space<vmem>>, vector<1x10000x64xf32>
    %get3A_13 = vector.shape_cast %get3A_12 : vector<1x10000x64xf32> to vector<10000x64xf32>
    %concatenate3A = tpu.concatenate %get3A_8, %get3A_13 in 1 : vector<10000x64xf32>, vector<10000x64xf32> -> vector<10000x128xf32>
    %mul3A = vector.broadcast %rsqrt3A : vector<10000x1xf32> to vector<10000x128xf32>
    %mul3A_14 = arith.mulf %concatenate3A, %mul3A : vector<10000x128xf32>
    %get3A_15 = arith.constant 0 : index
    %get3A_16 = arith.constant 0 : index
    %get3A_17 = vector.load %arg2[%get3A_15, %get3A_16] : memref<1x128xf32, #tpu.memory_space<vmem>>, vector<1x128xf32>
    %add3A_18 = vector.broadcast %get3A_17 : vector<1x128xf32> to vector<10000x128xf32>
    %add3A_19 = arith.addf %mul3A_14, %add3A_18 : vector<10000x128xf32>
    %max3A = arith.constant 0.000000e+00 : f32
    %max3A_20 = vector.broadcast %max3A : f32 to vector<10000x128xf32>
    %max3A_21 = arith.maximumf %add3A_19, %max3A_20 : vector<10000x128xf32>
    %get3A_22 = arith.constant 0 : index
    %get3A_23 = arith.constant 0 : index
    %get3A_24 = vector.load %arg3[%get3A_22, %get3A_23] : memref<10000x128xf32, #tpu.memory_space<vmem>>, vector<10000x128xf32>
    %mul3A_25 = arith.mulf %max3A_21, %get3A_24 : vector<10000x128xf32>
    %swap3A = arith.constant 0 : index
    %swap3A_26 = arith.constant 0 : index
    %swap3A_27 = vector.load %arg4[%swap3A, %swap3A_26] : memref<10000x128xf32, #tpu.memory_space<vmem>>, vector<10000x128xf32>
    tpu.vector_store %arg4[%swap3A, %swap3A_26], %mul3A_25 {strides = array<i32>} : memref<10000x128xf32, #tpu.memory_space<vmem>>, vector<10000x128xf32>,
    return
  }
}

</mosaic_0001>

<sc_bundles>
// kernel: kernel.14.cloned.1.call-start
scs
__scs_entry_jumppad:
0x0: {  	(pc) =	sbr.rel $0x88, $3  }
0x1: {  	(tag) =	ssettag $0x0;
	lr =	simm.s32 $0x1  }
0x2: {  	[smem:$0x3F97] =	sst lr;
	_ =	strace $0xD0000000  }
0x3: {  	_ = 	snop  }
0x4: {  	_ = 	snop  }
0x5: {  	_ = 	snop  }
0x6: {  	_ = 	snop  }
0x7: {  	_ = 	snop  }
__scs_overlays_trampoline_lowered:
0x8: {  	[smem:$0x3FA6] =	sst s0  }
0x9: {  	[smem:$0x3FA7] =	sst s1  }
0xa: {  	[smem:$0x3FA8] =	sst s2  }
0xb: {  	[smem:$0x3FA9] =	sst s3  }
0xc: {  	[smem:$0x3FAA] =	sst s4  }
0xd: {  	[smem:$0x3FAB] =	sst s5  }
0xe: {  	[smem:$0x3FAC] =	sst s6  }
0xf: {  	[smem:$0x3FAD] =	sst s7  }
0x10: {  	[smem:$0x3FAE] =	sst s8  }
0x11: {  	[smem:$0x3FAF] =	sst s9;
	s0 =	simm.s32 @!p0 $0x0  }
0x12: {  	s1 =	sld [smem:$0x3F95];
	s0 =	simm.s32 @p0 $0x1  }
0x13: {  	[smem:$0x3FB0] =	sst s0;
	s0 =	simm.s32 @!p1 $0x0  }
0x14: {  	s2 =	sld [smem:$0x3F94];
	s0 =	simm.s32 @p1 $0x1  }
0x15: {  	[smem:$0x3FB1] =	sst s0;
	s0 =	simm.s32 @!p2 $0x0  }
0x16: {  	s3 =	sld [smem:$0x3FDB];
	s0 =	simm.s32 @p2 $0x1  }
0x17: {  	s4 =	simm.s32 $0x1BF5;
	[smem:$0x3FB3] =	sst s0  }
0x18: {  	s0 =	sld [smem:$0x3F96];
	_ =	swait.ge [sflag:s4], $0x0  }
0x19: {  	s7 =	sld [smem:$0x3F97]  }
0x1a: {  	s8 =	sadd.s32 $0xFFFFE003, lr  }
0x1b: {  	s9 =	sadd.s32 $0xFFFFFEF7, lr;
	s5 =	simm.s32 $0xFFFFFFFF;
	p2 =	slt.u32 s8, $0xFFFFF086  }
0x1c: {  	p1 =	slt.u32 s9, $0xF7A;
	s5 =	simm.s32 @!p2 $0x0  }
0x1d: {  	s5 =	simm.s32 @p1 $0x1;
	p0 =	seq.s32 s7, s2  }
0x1e: {  	s7 =	smul.u32 @!p0 $0xF7A, s2;
	p2 =	seq.s32 @!p0 s5, $0x0  }
0x1f: {  	s9 =	smul.u32 $0xF7A, s1;
	s8 =	simm.s32 @!p0 $0x1BF5;
	p2 =	por !p2, p0  }
0x20: {  	[sflag:s8] =	ssyncset.s32 @!p0 $0xFFFFF086;
	s6 =	sadd.s32 @!p0 s3, s7;
	s7 =	simm.s32 @!p0 $0x108  }
0x21: {  	s3 =	sadd.s32 s3, s9;
	s6 =	sadd.s32 @!p0 $0x88, s6;
	s7 =	simm.s32 @p2 $0x1082  }
0x22: {  	[simem:s7], [sflag:s8] =	dma.local @!p0 [hbm:s6], $0xF7A  }
0x23: {  	s9 =	sor.u32 $0xD0000000, s2;
	s6 =	simm.s32 $0x108;
	_ =	swait.ge @!p0 [sflag:s8], $0x0  }
0x24: {  	s3 =	sadd.s32 $0x88, s3;
	s6 =	simm.s32 @!p1 $0x1082;
	[sflag:s4] =	ssyncset.s32 $0xFFFFF086  }
0x25: {  	[simem:s6], [sflag:s4] =	dma.local [hbm:s3], $0xF7A  }
0x26: {  	[smem:$0x3F97] =	sst s1;
	(tag) =	ssettag s2;
	_ =	strace s9  }
0x27: {  	s1 =	sld [smem:$0x3FA7]  }
0x28: {  	s2 =	sld [smem:$0x3FA8]  }
0x29: {  	s4 =	sld [smem:$0x3FAA]  }
0x2a: {  	p0 =	seq.s32 s5, $0x0;
	s5 =	sld [smem:$0x3FAB]  }
0x2b: {  	s6 =	sld [smem:$0x3FAC]  }
0x2c: {  	s7 =	sld [smem:$0x3FAD]  }
0x2d: {  	s3 =	simm.s32 $0x108;
	s8 =	sld [smem:$0x3FAE]  }
0x2e: {  	s3 =	simm.s32 @!p0 $0x1082;
	s9 =	sld [smem:$0x3FAF]  }
0x2f: {  	lr =	sadd.s32 s0, s3;
	s0 =	sld [smem:$0x3FA6]  }
0x30: {  	s3 =	sld [smem:$0x3FA9]  }
0x31: {  	[smem:$0x3FB2] =	sst s10  }
0x32: {  	s10 =	sld [smem:$0x3FB0];
	_ =	sdelay $0x3  }
0x33: {  	p0 =	seq.s32 s10, $0x1;
	s10 =	sld [smem:$0x3FB2];
	_ =	sdelay $0x3  }
0x34: {  	[smem:$0x3FB2] =	sst s10  }
0x35: {  	s10 =	sld [smem:$0x3FB1];
	_ =	sdelay $0x3  }
0x36: {  	p1 =	seq.s32 s10, $0x1;
	s10 =	sld [smem:$0x3FB2];
	_ =	sdelay $0x3  }
0x37: {  	[smem:$0x3FB2] =	sst s10  }
0x38: {  	s10 =	sld [smem:$0x3FB3]  }
0x39: {  	_ = 	snop;
	(pc) =	sbr.ind lr, $3  }
0x3a: {  	_ = 	snop  }
0x3b: {  	_ = 	snop  }
0x3c: {  	p2 =	seq.s32 s10, $0x1;
	s10 =	sld [smem:$0x3FB2]  }
0x3d: {  	_ =	shalt  }
0x3e: {  	_ =	shalt  }
0x3f: {  	_ =	shalt  }
0x40: {  	_ =	shalt  }
0x41: {  	_ =	shalt  }
0x42: {  	_ =	shalt  }
0x43: {  	_ =	shalt  }
0x44: {  	_ =	shalt  }
0x45: {  	_ =	shalt  }
0x46: {  	_ =	shalt  }
0x47: {  	_ =	shalt  }
0x48: {  	_ =	shalt  }
0x49: {  	_ =	shalt  }
0x4a: {  	_ =	shalt  }
0x4b: {  	_ =	shalt  }
0x4c: {  	_ =	shalt  }
0x4d: {  	_ =	shalt  }
0x4e: {  	_ =	shalt  }
0x4f: {  	_ =	shalt  }
0x50: {  	_ =	shalt  }
0x51: {  	_ =	shalt  }
0x52: {  	_ =	shalt  }
0x53: {  	_ =	shalt  }
0x54: {  	_ =	shalt  }
0x55: {  	_ =	shalt  }
0x56: {  	_ =	shalt  }
0x57: {  	_ =	shalt  }
0x58: {  	_ =	shalt  }
0x59: {  	_ =	shalt  }
0x5a: {  	_ =	shalt  }
0x5b: {  	_ =	shalt  }
0x5c: {  	_ =	shalt  }
0x5d: {  	_ =	shalt  }
0x5e: {  	_ =	shalt  }
0x5f: {  	_ =	shalt  }
0x60: {  	_ =	shalt  }
0x61: {  	_ =	shalt  }
0x62: {  	_ =	shalt  }
0x63: {  	_ =	shalt  }
0x64: {  	_ =	shalt  }
0x65: {  	_ =	shalt  }
0x66: {  	_ =	shalt  }
0x67: {  	_ =	shalt  }
0x68: {  	_ =	shalt  }
0x69: {  	_ =	shalt  }
0x6a: {  	_ =	shalt  }
0x6b: {  	_ =	shalt  }
0x6c: {  	_ =	shalt  }
0x6d: {  	_ =	shalt  }
0x6e: {  	_ =	shalt  }
0x6f: {  	_ =	shalt  }
0x70: {  	_ =	shalt  }
0x71: {  	_ =	shalt  }
0x72: {  	_ =	shalt  }
0x73: {  	_ =	shalt  }
0x74: {  	_ =	shalt  }
0x75: {  	_ =	shalt  }
0x76: {  	_ =	shalt  }
0x77: {  	_ =	shalt  }
0x78: {  	_ =	shalt  }
0x79: {  	_ =	shalt  }
0x7a: {  	_ =	shalt  }
0x7b: {  	_ =	shalt  }
0x7c: {  	_ =	shalt  }
0x7d: {  	_ =	shalt  }
0x7e: {  	_ =	shalt  }
0x7f: {  	_ =	shalt  }
0x80: {  	_ =	shalt  }
0x81: {  	_ =	shalt  }
0x82: {  	_ =	shalt  }
0x83: {  	_ =	shalt  }
0x84: {  	_ =	shalt  }
0x85: {  	_ =	shalt  }
0x86: {  	_ =	shalt  }
0x87: {  	_ =	shalt  }
.Lfunc_end0:
.L_simem_size_0:
called_computation.1_lowered:
.L_overlay_start_0:
0x88: {  	s2 =	sld [smem:$0x3FD9]  }
0x89: {  	s3 =	sld [smem:$0x3FFE];
	_ =	sdelay $0x1  }
0x8a: {  	s1 =	srdreg.scid  }
0x8b: {  	s0 =	sand.u32 $0x1, s1  }
0x8c: {  	s17 =	sshll.u32 s0, $0xA;
	s2 =	sadd.s32 s3, s2  }
0x8d: {  	s2 =	sadd.s32 s2, s17  }
0x8e: {  	[smem:$0x3FBE] =	sst s2  }
0x8f: {  	_ = 	snop  }
0x90: {  	s2 =	sld [smem:$0x3FD0];
	(tm) =	ssettm $0x1  }
0x91: {  	s18 =	sld [smem:$0x3FFB];
	_ =	sdelay $0x3  }
0x92: {  	_ =	strace s18  }
0x93: {  	s3 =	sld [smem:$0x3FFC];
	_ =	sdelay $0x3  }
0x94: {  	_ =	strace s3  }
0x95: {  	s3 =	sld [smem:$0x3FFD];
	_ =	sdelay $0x3  }
0x96: {  	_ =	strace s3  }
0x97: {  	_ =	strace $0x8FFFFFFF  }
0x98: {  	s19 =	sld [smem:$0x3FDB];
	_ =	sdelay $0x1  }
0x99: {  	s4 =	simm.s32 $_scs_section_size  }
0x9a: {  	s5 =	simm.s32 $_size__tile_overlayer_lowered;
	s6 =	simm.s32 $_tile_overlayer_lowered  }
0x9b: {  	s22 =	simm.s32 $0x1BFF;
	s21 =	sshll.u32 s6, $0x1;
	s3 =	sadd.s32 s4, s19  }
0x9c: {  	s7 =	simm.s32 $0x0;
	s20 =	sshll.u32 s5, $0x1;
	s5 =	sadd.s32 s21, s3  }
0x9d: {  	[timem:s7], [sflag:s22] =	dma.local [hbm:s5], s20  }
0x9e: {  	_ =	swait.ge [sflag:s22], s20  }
0x9f: {  	s4 =	ssub.s32 $0x0, s20;
	[sflag:s22] =	ssyncset.done $0x0  }
0xa0: {  	[sflag:s22] =	ssyncadd.s32 s4;
	_ =	sdelay $0x1  }
0xa1: {  	s23 =	simm.s32 $0x1B8B  }
0xa2: {  	_ =	swait.ge [sflag:s23], $0x1  }
0xa3: {  	[sflag:s23] =	ssyncset.done $0x0  }
0xa4: {  	s25 =	simm.s32 $0x1B8E;
	s24 =	sld [smem:$0x3FFE];
	[sflag:s23] =	ssyncadd.s32 $0xFFFFFFFF  }
0xa5: {  	s26 =	simm.s32 $execute0_lowered;
	[smem:$0x3FD2] =	sst s25  }
0xa6: {  	s5 =	sshll.u32 s26, $0x1;
	_ =	strace $0x80000049;
	[dreg:$0x1] =	wrdreg $0xFFFFFFFF  }
0xa7: {  	s28 =	simm.s32 $_size_execute0_lowered;
	s3 =	sadd.s32 s3, s5;
	[dreg:$0x0] =	wrdreg $0x0  }
0xa8: {  	s5 =	sshll.u32 s28, $0x1;
	[dreg:$0x2] =	wrdreg s3  }
0xa9: {  	[dreg:$0x3] =	wrdreg s5  }
0xaa: {  	[dreg:$0x4] =	wrdreg $0xC0  }
0xab: {  	_ =	task [dreg:s7], $0x5FFFF  }
0xac: {  	[dreg:$0x1] =	wrdreg $0xFFFFFFFF  }
0xad: {  	[dreg:$0x0] =	wrdreg $0x60  }
0xae: {  	[dreg:$0x2] =	wrdreg s24  }
0xaf: {  	[dreg:$0x3] =	wrdreg s2  }
0xb0: {  	[dreg:$0x4] =	wrdreg $0x90000  }
0xb1: {  	[dreg:$0x5] =	wrdreg $0x130000  }
0xb2: {  	[dreg:$0x6] =	wrdreg $0x9  }
0xb3: {  	_ =	task.clear_ibuf [dreg:s7], $0x7FFFF;
	_ =	strace $0x90000049  }
0xb4: {  	s29 =	simm.s32 $0x9;
	_ =	strace $0x8000004B  }
0xb5: {  	_ =	swait.ge [sflag:s29], $0x1  }
0xb6: {  	[sflag:s29] =	ssyncadd.s32 $0xFFFFFFFF  }
0xb7: {  	_ =	strace $0x9000004B  }
0xb8: {  	_ =	sfence  }
0xb9: {  	s30 =	sld [smem:$0x0];
	_ =	sdelay $0x2  }
0xba: {  	s31 =	sshll.u32 s1, $0xD;
	s1 =	sshrl.u32 s1, $0x2  }
0xbb: {  	s3 =	sand.u32 $0x4000, s31;
	s1 =	sadd.s32 s1, s30  }
0xbc: {  	s0 =	sor.u32 s3, s0;
	s1 =	sshll.u32 s1, $0x11  }
0xbd: {  	s0 =	sor.u32 s1, s0  }
0xbe: {  	s0 =	sadd.s32 $0x8F2B, s0  }
0xbf: {  	[sflag:s0] =	ssyncadd.remote.s32 $0x1  }
0xc0: {  	_ =	sfence.sel $0xFFFF  }
0xc1: {  	[dreg:$0x0] =	wrdreg $0xFFFFFFFF;
	(pc) =	sbr.abs _section_cstart, $3  }
0xc2: {  	[dreg:$0x1] =	wrdreg $0xFFFFFFFF  }
0xc3: {  	_ =	task.clear_ibuf [dreg:s7], $0x2FFFF;
	_ =	strace $0x9FFFFFFF  }
0xc4: {  	(tm) =	ssettm $0x7FFFFFFF  }
0xc5: {  	_ =	shalt  }
tec
execute0_lowered:
.L_overlay_start_1:
0x0: {  	(tag) =	ssettag $0x1  }
0x1: {  	s5 =	rddreg [dreg:$0x0]  }
0x2: {  	s10 =	rddreg [dreg:$0x1]  }
0x3: {  	s2 =	rddreg [dreg:$0x2]  }
0x4: {  	s0 =	srdreg.scid;
	s3 =	rddreg [dreg:$0x3]  }
0x5: {  	s1 =	stileid.u32;
	s4 =	simm.s32 $0x0;
	s17 =	simm.s32 $0x1  }
0x6: {  	s18 =	simm.s32 $0x80;
	s19 =	simm.s32 $0x5000;
	s20 =	simm.s32 $0x7000  }
0x7: {  	s21 =	simm.s32 $0x2;
	s22 =	simm.s32 $0x3;
	s23 =	simm.s32 $0x4F00  }
0x8: {  	s24 =	simm.s32 $0x4F80;
	s6 =	sand.u32 $0x1, s0;
	s0 =	rddreg [dreg:$0x4]  }
0x9: {  	s25 =	simm.s32 $0x0;
	s8 =	smul.u32 $0xA000, s1;
	[smem:$0x7FF] =	sst s4  }
0xa: {  	s9 =	sadd.s32 $0x3200, s5;
	s30 =	smul.u32 $0x5000, s1;
	s31 =	sshll.u32 s1, $0x6  }
0xb: {  	s7 =	smul.u32 $0xA0000, s6;
	_ =	strace $0x8000004A;
	s6 =	ssub.s32 $0x2, s6  }
0xc: {  	s29 =	sshrl.u32 s6, $0x1;
	s13 =	sadd.s32 s8, s2;
	s14 =	sshrl.u32 s30, $0x3  }
0xd: {  	s15 =	sadd.s32 s8, s3;
	s7 =	sadd.s32 s8, s7;
	s12 =	ssub.s32 s6, s29  }
0xe: {  	s6 =	sor.u32 $0x1C04, s31;
	s16 =	sadd.s32 $0x500, s14;
	s8 =	sadd.s32 s10, s14  }
0xf: {  	s13 =	sshrl.u32 s13, $0x3;
	s15 =	sshrl.u32 s15, $0x3;
	s7 =	sshrl.u32 s7, $0x3  }
0x10: {  	s10 =	sadd.s32 s10, s16;
	s12 =	smax.u32 s12, $0x1;
	s11 =	sadd.s32 s7, s5  }
0x11: {  	s7 =	sadd.s32 s9, s14;
	s9 =	sadd.s32 s9, s16;
	s14 =	simm.s32 $0x4  }
0x12: {  	s16 =	simm.s32 $0x2800;
	s5 =	sadd.s32 $0xD200, s11;
	s11 =	sadd.s32 $0x35200, s11  }
.LBB2_1:
0x13: {  	[spmem:s13], [sflag:s6] =	dma.local [hbm:s5], $0x1400  }
0x14: {  	_ =	swait.ge [sflag:s14], $0x1400  }
0x15: {  	[sflag:s14] =	ssyncset.done $0x0  }
0x16: {  	[sflag:s14] =	ssyncadd.s32 $0xFFFFEC00  }
0x17: {  	[spmem:s15], [sflag:s6] =	dma.local [hbm:s5], $0x1400  }
0x18: {  	_ =	swait.ge [sflag:s14], $0x1400  }
0x19: {  	[sflag:s14] =	ssyncset.done $0x0  }
0x1a: {  	[sflag:s14] =	ssyncadd.s32 $0xFFFFEC00  }
0x1b: {  	[bflag:$0x0] =	sbarrier.arrive $0xFFFF  }
0x1c: {  	[tilespmem:s4], [sflag:$0x1] =	stream.linear.gather [hbm4b:s7+s4], $0x2800, $0x38;
	[tilespmem:$0x1D000] =	vst v63  }
0x1d: {  	_ = 	snop  }
0x1e: {  	[tilespmem:s16], [sflag:$0x1] =	stream.linear.gather [hbm4b:s8+s4], $0x2800, $0x38;
	[tilespmem:$0x1D000] =	vst v63  }
0x1f: {  	_ =	swait.ge [sflag:s17], $0x2800  }
0x20: {  	[sflag:s17] =	ssyncset.done $0x0  }
0x21: {  	[sflag:s17] =	ssyncadd.s32 $0xFFFFD800  }
0x22: {  	_ =	swait.ge [sflag:s17], $0x2800  }
0x23: {  	[sflag:s17] =	ssyncset.done $0x0  }
0x24: {  	[sflag:s17] =	ssyncadd.s32 $0xFFFFD800  }
0x25: {  	[tilespmem:s19], [sflag:$0x2] =	stream.indirect.gather [spmem:s2], $0x40, s4, s18, $0xb8;
	[tilespmem:$0x1D000] =	vst v63  }
0x26: {  	_ = 	snop  }
0x27: {  	[tilespmem:s20], [sflag:$0x3] =	stream.indirect.gather [spmem:s2], $0x40, s18, s18, $0xb8;
	[tilespmem:$0x1D000] =	vst v63  }
0x28: {  	_ =	swait.ge [sflag:s21], $0x2000  }
0x29: {  	[sflag:s21] =	ssyncset.done $0x0  }
0x2a: {  	s26 =	simm.s32 $0x2800;
	[sflag:s21] =	ssyncadd.s32 $0xFFFFE000  }
0x2b: {  	[spmem:s3] =	stream.indirect.scatter.add.f32 [tilespmem:s19], [sflag:$0x4], $0x40, s26, s18, $0xb8;
	[tilespmem:$0x1D000] =	vst v63  }
0x2c: {  	_ =	swait.ge [sflag:s14], $0x2000  }
0x2d: {  	[sflag:s14] =	ssyncset.done $0x0  }
0x2e: {  	s30 =	simm.s32 $0x100;
	[sflag:s14] =	ssyncadd.s32 $0xFFFFE000  }
0x2f: {  	[tilespmem:s19], [sflag:$0x2] =	stream.indirect.gather [spmem:s2], $0x40, s30, s18, $0xb8;
	[tilespmem:$0x1D000] =	vst v63  }
0x30: {  	_ =	swait.ge [sflag:s22], $0x2000  }
0x31: {  	[sflag:s22] =	ssyncset.done $0x0  }
0x32: {  	s31 =	simm.s32 $0x2880;
	[sflag:s22] =	ssyncadd.s32 $0xFFFFE000  }
0x33: {  	[spmem:s3] =	stream.indirect.scatter.add.f32 [tilespmem:s20], [sflag:$0x4], $0x40, s31, s18, $0xb8;
	[tilespmem:$0x1D000] =	vst v63  }
0x34: {  	_ =	swait.ge [sflag:s14], $0x2000  }
0x35: {  	[sflag:s14] =	ssyncset.done $0x0  }
0x36: {  	s28 =	simm.s32 $0x180;
	s26 =	simm.s32 $0x400;
	[sflag:s14] =	ssyncadd.s32 $0xFFFFE000  }
.LBB2_2:
0x37: {  	[tilespmem:s20], [sflag:$0x3] =	stream.indirect.gather [spmem:s2], $0x40, s28, s18, $0xb8;
	[tilespmem:$0x1D000] =	vst v63  }
0x38: {  	s28 =	smov.u32 s26  }
0x39: {  	p0 =	sne.s32 s26, $0x9800;
	s26 =	sadd.s32 $0x400, s26;
	_ =	swait.ge [sflag:s21], $0x2000  }
0x3a: {  	s28 =	sshra.s32 s28, $0x2;
	[sflag:s21] =	ssyncset.done $0x0  }
0x3b: {  	s29 =	sadd.s32 $0x2800, s28;
	[sflag:s21] =	ssyncadd.s32 $0xFFFFE000  }
0x3c: {  	[spmem:s3] =	stream.indirect.scatter.add.f32 [tilespmem:s19], [sflag:$0x4], $0x40, s29, s18, $0xb8;
	[tilespmem:$0x1D000] =	vst v63  }
0x3d: {  	_ =	swait.ge [sflag:s14], $0x2000  }
0x3e: {  	[sflag:s14] =	ssyncset.done $0x0  }
0x3f: {  	s29 =	sadd.s32 $0x100, s28;
	[sflag:s14] =	ssyncadd.s32 $0xFFFFE000  }
0x40: {  	[tilespmem:s19], [sflag:$0x2] =	stream.indirect.gather [spmem:s2], $0x40, s29, s18, $0xb8;
	[tilespmem:$0x1D000] =	vst v63  }
0x41: {  	_ =	swait.ge [sflag:s22], $0x2000  }
0x42: {  	[sflag:s22] =	ssyncset.done $0x0  }
.Ltmp0:
0x43: {  	s29 =	sadd.s32 $0x2880, s28;
	[sflag:s22] =	ssyncadd.s32 $0xFFFFE000;
	(pc) =	sbr.rel @p0 .LBB2_2-.Ltmp0, $4  }
0x44: {  	[spmem:s3] =	stream.indirect.scatter.add.f32 [tilespmem:s20], [sflag:$0x4], $0x40, s29, s18, $0xb8;
	[tilespmem:$0x1D000] =	vst v63  }
0x45: {  	_ =	swait.ge [sflag:s14], $0x2000  }
0x46: {  	[sflag:s14] =	ssyncset.done $0x0  }
0x47: {  	s28 =	sadd.s32 $0x180, s28;
	[sflag:s14] =	ssyncadd.s32 $0xFFFFE000  }
0x48: {  	[tilespmem:s20], [sflag:$0x3] =	stream.indirect.gather [spmem:s2], $0x40, s28, s18, $0xb8;
	[tilespmem:$0x1D000] =	vst v63  }
0x49: {  	_ =	swait.ge [sflag:s21], $0x2000  }
0x4a: {  	[sflag:s21] =	ssyncset.done $0x0  }
0x4b: {  	[sflag:s21] =	ssyncadd.s32 $0xFFFFE000  }
0x4c: {  	[spmem:s3] =	stream.indirect.scatter.add.f32 [tilespmem:s19], [sflag:$0x4], $0x40, s23, s18, $0xb8;
	[tilespmem:$0x1D000] =	vst v63  }
0x4d: {  	_ =	swait.ge [sflag:s14], $0x2000  }
0x4e: {  	[sflag:s14] =	ssyncset.done $0x0  }
0x4f: {  	[sflag:s14] =	ssyncadd.s32 $0xFFFFE000  }
0x50: {  	_ =	swait.ge [sflag:s22], $0x2000  }
0x51: {  	[sflag:s22] =	ssyncset.done $0x0  }
0x52: {  	[sflag:s22] =	ssyncadd.s32 $0xFFFFE000  }
0x53: {  	[spmem:s3] =	stream.indirect.scatter.add.f32 [tilespmem:s20], [sflag:$0x4], $0x40, s24, s18, $0xb8;
	[tilespmem:$0x1D000] =	vst v63  }
0x54: {  	_ =	swait.ge [sflag:s14], $0x2000  }
0x55: {  	[sflag:s14] =	ssyncset.done $0x0  }
0x56: {  	s26 =	simm.s32 $0x0;
	[sflag:s14] =	ssyncadd.s32 $0xFFFFE000  }
0x57: {  	[tilespmem:s26], [sflag:$0x1] =	stream.linear.gather [hbm4b:s9+s26], $0x2800, $0x38;
	[tilespmem:$0x1D000] =	vst v63  }
0x58: {  	_ = 	snop  }
0x59: {  	[tilespmem:s16], [sflag:$0x1] =	stream.linear.gather [hbm4b:s10+s26], $0x2800, $0x38;
	[tilespmem:$0x1D000] =	vst v63  }
0x5a: {  	_ =	swait.ge [sflag:s17], $0x2800  }
0x5b: {  	[sflag:s17] =	ssyncset.done $0x0  }
0x5c: {  	[sflag:s17] =	ssyncadd.s32 $0xFFFFD800  }
0x5d: {  	_ =	swait.ge [sflag:s17], $0x2800  }
0x5e: {  	[sflag:s17] =	ssyncset.done $0x0  }
0x5f: {  	[sflag:s17] =	ssyncadd.s32 $0xFFFFD800  }
0x60: {  	[tilespmem:s19], [sflag:$0x2] =	stream.indirect.gather [spmem:s2], $0x40, s26, s18, $0xb8;
	[tilespmem:$0x1D000] =	vst v63  }
0x61: {  	_ = 	snop  }
0x62: {  	[tilespmem:s20], [sflag:$0x3] =	stream.indirect.gather [spmem:s2], $0x40, s18, s18, $0xb8;
	[tilespmem:$0x1D000] =	vst v63  }
0x63: {  	_ =	swait.ge [sflag:s21], $0x2000  }
0x64: {  	[sflag:s21] =	ssyncset.done $0x0  }
0x65: {  	s29 =	simm.s32 $0x2800;
	[sflag:s21] =	ssyncadd.s32 $0xFFFFE000  }
0x66: {  	[spmem:s3] =	stream.indirect.scatter.add.f32 [tilespmem:s19], [sflag:$0x4], $0x40, s29, s18, $0xb8;
	[tilespmem:$0x1D000] =	vst v63  }
0x67: {  	_ =	swait.ge [sflag:s14], $0x2000  }
0x68: {  	[sflag:s14] =	ssyncset.done $0x0  }
0x69: {  	s30 =	simm.s32 $0x100;
	[sflag:s14] =	ssyncadd.s32 $0xFFFFE000  }
0x6a: {  	[tilespmem:s19], [sflag:$0x2] =	stream.indirect.gather [spmem:s2], $0x40, s30, s18, $0xb8;
	[tilespmem:$0x1D000] =	vst v63  }
0x6b: {  	_ =	swait.ge [sflag:s22], $0x2000  }
0x6c: {  	[sflag:s22] =	ssyncset.done $0x0  }
0x6d: {  	s31 =	simm.s32 $0x2880;
	[sflag:s22] =	ssyncadd.s32 $0xFFFFE000  }
0x6e: {  	[spmem:s3] =	stream.indirect.scatter.add.f32 [tilespmem:s20], [sflag:$0x4], $0x40, s31, s18, $0xb8;
	[tilespmem:$0x1D000] =	vst v63  }
0x6f: {  	_ =	swait.ge [sflag:s14], $0x2000  }
0x70: {  	[sflag:s14] =	ssyncset.done $0x0  }
0x71: {  	s28 =	simm.s32 $0x180;
	s26 =	simm.s32 $0x400;
	[sflag:s14] =	ssyncadd.s32 $0xFFFFE000  }
.LBB2_4:
0x72: {  	[tilespmem:s20], [sflag:$0x3] =	stream.indirect.gather [spmem:s2], $0x40, s28, s18, $0xb8;
	[tilespmem:$0x1D000] =	vst v63  }
0x73: {  	s28 =	smov.u32 s26  }
0x74: {  	p0 =	sne.s32 s26, $0x9800;
	s26 =	sadd.s32 $0x400, s26;
	_ =	swait.ge [sflag:s21], $0x2000  }
0x75: {  	s28 =	sshra.s32 s28, $0x2;
	[sflag:s21] =	ssyncset.done $0x0  }
0x76: {  	s29 =	sadd.s32 $0x2800, s28;
	[sflag:s21] =	ssyncadd.s32 $0xFFFFE000  }
0x77: {  	[spmem:s3] =	stream.indirect.scatter.add.f32 [tilespmem:s19], [sflag:$0x4], $0x40, s29, s18, $0xb8;
	[tilespmem:$0x1D000] =	vst v63  }
0x78: {  	_ =	swait.ge [sflag:s14], $0x2000  }
0x79: {  	[sflag:s14] =	ssyncset.done $0x0  }
0x7a: {  	s29 =	sadd.s32 $0x100, s28;
	[sflag:s14] =	ssyncadd.s32 $0xFFFFE000  }
0x7b: {  	[tilespmem:s19], [sflag:$0x2] =	stream.indirect.gather [spmem:s2], $0x40, s29, s18, $0xb8;
	[tilespmem:$0x1D000] =	vst v63  }
0x7c: {  	_ =	swait.ge [sflag:s22], $0x2000  }
0x7d: {  	[sflag:s22] =	ssyncset.done $0x0  }
.Ltmp1:
0x7e: {  	s29 =	sadd.s32 $0x2880, s28;
	[sflag:s22] =	ssyncadd.s32 $0xFFFFE000;
	(pc) =	sbr.rel @p0 .LBB2_4-.Ltmp1, $4  }
0x7f: {  	[spmem:s3] =	stream.indirect.scatter.add.f32 [tilespmem:s20], [sflag:$0x4], $0x40, s29, s18, $0xb8;
	[tilespmem:$0x1D000] =	vst v63  }
0x80: {  	_ =	swait.ge [sflag:s14], $0x2000  }
0x81: {  	[sflag:s14] =	ssyncset.done $0x0  }
0x82: {  	s28 =	sadd.s32 $0x180, s28;
	[sflag:s14] =	ssyncadd.s32 $0xFFFFE000  }
0x83: {  	[tilespmem:s20], [sflag:$0x3] =	stream.indirect.gather [spmem:s2], $0x40, s28, s18, $0xb8;
	[tilespmem:$0x1D000] =	vst v63  }
0x84: {  	_ =	swait.ge [sflag:s21], $0x2000  }
0x85: {  	[sflag:s21] =	ssyncset.done $0x0  }
0x86: {  	[sflag:s21] =	ssyncadd.s32 $0xFFFFE000  }
0x87: {  	[spmem:s3] =	stream.indirect.scatter.add.f32 [tilespmem:s19], [sflag:$0x4], $0x40, s23, s18, $0xb8;
	[tilespmem:$0x1D000] =	vst v63  }
0x88: {  	_ =	swait.ge [sflag:s14], $0x2000  }
0x89: {  	[sflag:s14] =	ssyncset.done $0x0  }
0x8a: {  	[sflag:s14] =	ssyncadd.s32 $0xFFFFE000  }
0x8b: {  	_ =	swait.ge [sflag:s22], $0x2000  }
0x8c: {  	[sflag:s22] =	ssyncset.done $0x0  }
0x8d: {  	[sflag:s22] =	ssyncadd.s32 $0xFFFFE000  }
0x8e: {  	[spmem:s3] =	stream.indirect.scatter.add.f32 [tilespmem:s20], [sflag:$0x4], $0x40, s24, s18, $0xb8;
	[tilespmem:$0x1D000] =	vst v63  }
0x8f: {  	_ =	swait.ge [sflag:s14], $0x2000  }
0x90: {  	s25 =	sadd.s32 $0x1, s25;
	[sflag:s14] =	ssyncset.done $0x0  }
0x91: {  	p0 =	sne.s32 s25, s12;
	[sflag:s14] =	ssyncadd.s32 $0xFFFFE000  }
.Ltmp2:
0x92: {  	[bflag:$0x0] =	sbarrier.arrive $0xFFFF;
	(pc) =	sbr.rel @p0 .LBB2_1-.Ltmp2, $4  }
0x93: {  	[hbm:s11], [sflag:s6] =	dma.local [spmem:s15], $0x1400  }
0x94: {  	_ =	swait.ge [sflag:s14], $0x1400  }
0x95: {  	[sflag:s14] =	ssyncset.done $0x0  }
0x96: {  	[sflag:s14] =	ssyncadd.s32 $0xFFFFEC00  }
0x97: {  	_ =	sfence.sel $0x180000  }
0x98: {  	[bflag:$0x0] =	sbarrier.arrive $0xFFFF  }
0x99: {  	p0 =	sne.s32 s1, $0x0;
	_ =	strace $0x9000004A  }
0x9a: {  	s0 =	sadd.s32 @!p0 $0x100000, s0;
	[bflag:$0x2] =	sbarrier.arrive $0xFFFF  }
0x9b: {  	[sflag:s0] =	ssyncadd.tile.s32 @!p0 $0x1;
	_ =	shalt  }
.Lfunc_end2:
_tile_overlayer_lowered:
.L_overlay_start_2:
0x9c: {  	(tag) =	ssettag $0x2  }
0x9d: {  	s0 =	rddreg [dreg:$0x0];
	s2 =	stileid.u32  }
0x9e: {  	s1 =	rddreg [dreg:$0x1];
	p0 =	sne.s32 s2, $0x0  }
0x9f: {  	s3 =	rddreg [dreg:$0x2];
	[bflag:$0x3] =	sbarrier.arrive $0xFFFF;
	s2 =	simm.s32 @!p0 $0x1C04  }
0xa0: {  	[timem:s3], [sflag:s2] =	dma.local @!p0 [hbm:s0], s1  }
0xa1: {  	s0 =	simm.s32 @!p0 $0x4  }
0xa2: {  	_ =	swait.ge @!p0 [sflag:s0], s1  }
0xa3: {  	s1 =	ssub.s32 @!p0 $0x0, s1;
	[sflag:s0] =	ssyncset.done @!p0 $0x0  }
0xa4: {  	[sflag:s0] =	ssyncadd.s32 @!p0 s1  }
0xa5: {  	[bflag:$0x3] =	sbarrier.arrive $0xFFFF  }
0xa6: {  	_ =	shalt  }

// kernel: kernel.17.cloned.1.call-start
scs
__scs_entry_jumppad:
0x0: {  	(pc) =	sbr.rel $0x88, $3  }
0x1: {  	(tag) =	ssettag $0x0;
	lr =	simm.s32 $0x1  }
0x2: {  	[smem:$0x3F97] =	sst lr;
	_ =	strace $0xD0000000  }
0x3: {  	_ = 	snop  }
0x4: {  	_ = 	snop  }
0x5: {  	_ = 	snop  }
0x6: {  	_ = 	snop  }
0x7: {  	_ = 	snop  }
__scs_overlays_trampoline_lowered:
0x8: {  	[smem:$0x3FA6] =	sst s0  }
0x9: {  	[smem:$0x3FA7] =	sst s1  }
0xa: {  	[smem:$0x3FA8] =	sst s2  }
0xb: {  	[smem:$0x3FA9] =	sst s3  }
0xc: {  	[smem:$0x3FAA] =	sst s4  }
0xd: {  	[smem:$0x3FAB] =	sst s5  }
0xe: {  	[smem:$0x3FAC] =	sst s6  }
0xf: {  	[smem:$0x3FAD] =	sst s7  }
0x10: {  	[smem:$0x3FAE] =	sst s8  }
0x11: {  	[smem:$0x3FAF] =	sst s9;
	s0 =	simm.s32 @!p0 $0x0  }
0x12: {  	s1 =	sld [smem:$0x3F95];
	s0 =	simm.s32 @p0 $0x1  }
0x13: {  	[smem:$0x3FB0] =	sst s0;
	s0 =	simm.s32 @!p1 $0x0  }
0x14: {  	s2 =	sld [smem:$0x3F94];
	s0 =	simm.s32 @p1 $0x1  }
0x15: {  	[smem:$0x3FB1] =	sst s0;
	s0 =	simm.s32 @!p2 $0x0  }
0x16: {  	s3 =	sld [smem:$0x3FDB];
	s0 =	simm.s32 @p2 $0x1  }
0x17: {  	s4 =	simm.s32 $0x1BF5;
	[smem:$0x3FB3] =	sst s0  }
0x18: {  	s0 =	sld [smem:$0x3F96];
	_ =	swait.ge [sflag:s4], $0x0  }
0x19: {  	s7 =	sld [smem:$0x3F97]  }
0x1a: {  	s8 =	sadd.s32 $0xFFFFE003, lr  }
0x1b: {  	s9 =	sadd.s32 $0xFFFFFEF7, lr;
	s5 =	simm.s32 $0xFFFFFFFF;
	p2 =	slt.u32 s8, $0xFFFFF086  }
0x1c: {  	p1 =	slt.u32 s9, $0xF7A;
	s5 =	simm.s32 @!p2 $0x0  }
0x1d: {  	s5 =	simm.s32 @p1 $0x1;
	p0 =	seq.s32 s7, s2  }
0x1e: {  	s7 =	smul.u32 @!p0 $0xF7A, s2;
	p2 =	seq.s32 @!p0 s5, $0x0  }
0x1f: {  	s9 =	smul.u32 $0xF7A, s1;
	s8 =	simm.s32 @!p0 $0x1BF5;
	p2 =	por !p2, p0  }
0x20: {  	[sflag:s8] =	ssyncset.s32 @!p0 $0xFFFFF086;
	s6 =	sadd.s32 @!p0 s3, s7;
	s7 =	simm.s32 @!p0 $0x108  }
0x21: {  	s3 =	sadd.s32 s3, s9;
	s6 =	sadd.s32 @!p0 $0x88, s6;
	s7 =	simm.s32 @p2 $0x1082  }
0x22: {  	[simem:s7], [sflag:s8] =	dma.local @!p0 [hbm:s6], $0xF7A  }
0x23: {  	s9 =	sor.u32 $0xD0000000, s2;
	s6 =	simm.s32 $0x108;
	_ =	swait.ge @!p0 [sflag:s8], $0x0  }
0x24: {  	s3 =	sadd.s32 $0x88, s3;
	s6 =	simm.s32 @!p1 $0x1082;
	[sflag:s4] =	ssyncset.s32 $0xFFFFF086  }
0x25: {  	[simem:s6], [sflag:s4] =	dma.local [hbm:s3], $0xF7A  }
0x26: {  	[smem:$0x3F97] =	sst s1;
	(tag) =	ssettag s2;
	_ =	strace s9  }
0x27: {  	s1 =	sld [smem:$0x3FA7]  }
0x28: {  	s2 =	sld [smem:$0x3FA8]  }
0x29: {  	s4 =	sld [smem:$0x3FAA]  }
0x2a: {  	p0 =	seq.s32 s5, $0x0;
	s5 =	sld [smem:$0x3FAB]  }
0x2b: {  	s6 =	sld [smem:$0x3FAC]  }
0x2c: {  	s7 =	sld [smem:$0x3FAD]  }
0x2d: {  	s3 =	simm.s32 $0x108;
	s8 =	sld [smem:$0x3FAE]  }
0x2e: {  	s3 =	simm.s32 @!p0 $0x1082;
	s9 =	sld [smem:$0x3FAF]  }
0x2f: {  	lr =	sadd.s32 s0, s3;
	s0 =	sld [smem:$0x3FA6]  }
0x30: {  	s3 =	sld [smem:$0x3FA9]  }
0x31: {  	[smem:$0x3FB2] =	sst s10  }
0x32: {  	s10 =	sld [smem:$0x3FB0];
	_ =	sdelay $0x3  }
0x33: {  	p0 =	seq.s32 s10, $0x1;
	s10 =	sld [smem:$0x3FB2];
	_ =	sdelay $0x3  }
0x34: {  	[smem:$0x3FB2] =	sst s10  }
0x35: {  	s10 =	sld [smem:$0x3FB1];
	_ =	sdelay $0x3  }
0x36: {  	p1 =	seq.s32 s10, $0x1;
	s10 =	sld [smem:$0x3FB2];
	_ =	sdelay $0x3  }
0x37: {  	[smem:$0x3FB2] =	sst s10  }
0x38: {  	s10 =	sld [smem:$0x3FB3]  }
0x39: {  	_ = 	snop;
	(pc) =	sbr.ind lr, $3  }
0x3a: {  	_ = 	snop  }
0x3b: {  	_ = 	snop  }
0x3c: {  	p2 =	seq.s32 s10, $0x1;
	s10 =	sld [smem:$0x3FB2]  }
0x3d: {  	_ =	shalt  }
0x3e: {  	_ =	shalt  }
0x3f: {  	_ =	shalt  }
0x40: {  	_ =	shalt  }
0x41: {  	_ =	shalt  }
0x42: {  	_ =	shalt  }
0x43: {  	_ =	shalt  }
0x44: {  	_ =	shalt  }
0x45: {  	_ =	shalt  }
0x46: {  	_ =	shalt  }
0x47: {  	_ =	shalt  }
0x48: {  	_ =	shalt  }
0x49: {  	_ =	shalt  }
0x4a: {  	_ =	shalt  }
0x4b: {  	_ =	shalt  }
0x4c: {  	_ =	shalt  }
0x4d: {  	_ =	shalt  }
0x4e: {  	_ =	shalt  }
0x4f: {  	_ =	shalt  }
0x50: {  	_ =	shalt  }
0x51: {  	_ =	shalt  }
0x52: {  	_ =	shalt  }
0x53: {  	_ =	shalt  }
0x54: {  	_ =	shalt  }
0x55: {  	_ =	shalt  }
0x56: {  	_ =	shalt  }
0x57: {  	_ =	shalt  }
0x58: {  	_ =	shalt  }
0x59: {  	_ =	shalt  }
0x5a: {  	_ =	shalt  }
0x5b: {  	_ =	shalt  }
0x5c: {  	_ =	shalt  }
0x5d: {  	_ =	shalt  }
0x5e: {  	_ =	shalt  }
0x5f: {  	_ =	shalt  }
0x60: {  	_ =	shalt  }
0x61: {  	_ =	shalt  }
0x62: {  	_ =	shalt  }
0x63: {  	_ =	shalt  }
0x64: {  	_ =	shalt  }
0x65: {  	_ =	shalt  }
0x66: {  	_ =	shalt  }
0x67: {  	_ =	shalt  }
0x68: {  	_ =	shalt  }
0x69: {  	_ =	shalt  }
0x6a: {  	_ =	shalt  }
0x6b: {  	_ =	shalt  }
0x6c: {  	_ =	shalt  }
0x6d: {  	_ =	shalt  }
0x6e: {  	_ =	shalt  }
0x6f: {  	_ =	shalt  }
0x70: {  	_ =	shalt  }
0x71: {  	_ =	shalt  }
0x72: {  	_ =	shalt  }
0x73: {  	_ =	shalt  }
0x74: {  	_ =	shalt  }
0x75: {  	_ =	shalt  }
0x76: {  	_ =	shalt  }
0x77: {  	_ =	shalt  }
0x78: {  	_ =	shalt  }
0x79: {  	_ =	shalt  }
0x7a: {  	_ =	shalt  }
0x7b: {  	_ =	shalt  }
0x7c: {  	_ =	shalt  }
0x7d: {  	_ =	shalt  }
0x7e: {  	_ =	shalt  }
0x7f: {  	_ =	shalt  }
0x80: {  	_ =	shalt  }
0x81: {  	_ =	shalt  }
0x82: {  	_ =	shalt  }
0x83: {  	_ =	shalt  }
0x84: {  	_ =	shalt  }
0x85: {  	_ =	shalt  }
0x86: {  	_ =	shalt  }
0x87: {  	_ =	shalt  }
.Lfunc_end0:
.L_simem_size_0:
called_computation.2_lowered:
.L_overlay_start_0:
0x88: {  	s2 =	sld [smem:$0x3FD9]  }
0x89: {  	s3 =	sld [smem:$0x3FFE];
	_ =	sdelay $0x1  }
0x8a: {  	s1 =	srdreg.scid  }
0x8b: {  	s0 =	sand.u32 $0x1, s1  }
0x8c: {  	s17 =	sshll.u32 s0, $0xA;
	s2 =	sadd.s32 s3, s2  }
0x8d: {  	s2 =	sadd.s32 s2, s17  }
0x8e: {  	[smem:$0x3FBE] =	sst s2  }
0x8f: {  	_ = 	snop  }
0x90: {  	s2 =	sld [smem:$0x3FD0];
	(tm) =	ssettm $0x1  }
0x91: {  	s18 =	sld [smem:$0x3FFB];
	_ =	sdelay $0x3  }
0x92: {  	_ =	strace s18  }
0x93: {  	s3 =	sld [smem:$0x3FFC];
	_ =	sdelay $0x3  }
0x94: {  	_ =	strace s3  }
0x95: {  	s3 =	sld [smem:$0x3FFD];
	_ =	sdelay $0x3  }
0x96: {  	_ =	strace s3  }
0x97: {  	_ =	strace $0x8FFFFFFF  }
0x98: {  	s19 =	sld [smem:$0x3FDB];
	_ =	sdelay $0x1  }
0x99: {  	s4 =	simm.s32 $_scs_section_size  }
0x9a: {  	s5 =	simm.s32 $_size__tile_overlayer_lowered;
	s6 =	simm.s32 $_tile_overlayer_lowered  }
0x9b: {  	s22 =	simm.s32 $0x1BFF;
	s21 =	sshll.u32 s6, $0x1;
	s3 =	sadd.s32 s4, s19  }
0x9c: {  	s7 =	simm.s32 $0x0;
	s20 =	sshll.u32 s5, $0x1;
	s5 =	sadd.s32 s21, s3  }
0x9d: {  	[timem:s7], [sflag:s22] =	dma.local [hbm:s5], s20  }
0x9e: {  	_ =	swait.ge [sflag:s22], s20  }
0x9f: {  	s4 =	ssub.s32 $0x0, s20;
	[sflag:s22] =	ssyncset.done $0x0  }
0xa0: {  	[sflag:s22] =	ssyncadd.s32 s4;
	_ =	sdelay $0x1  }
0xa1: {  	s23 =	simm.s32 $0x1B8B  }
0xa2: {  	_ =	swait.ge [sflag:s23], $0x1  }
0xa3: {  	[sflag:s23] =	ssyncset.done $0x0  }
0xa4: {  	s25 =	simm.s32 $0x1B8E;
	s24 =	sld [smem:$0x3FFE];
	[sflag:s23] =	ssyncadd.s32 $0xFFFFFFFF  }
0xa5: {  	s26 =	simm.s32 $execute0_lowered;
	[smem:$0x3FD2] =	sst s25  }
0xa6: {  	s5 =	sshll.u32 s26, $0x1;
	_ =	strace $0x8000004C;
	[dreg:$0x1] =	wrdreg $0xFFFFFFFF  }
0xa7: {  	s28 =	simm.s32 $_size_execute0_lowered;
	s3 =	sadd.s32 s3, s5;
	[dreg:$0x0] =	wrdreg $0x0  }
0xa8: {  	s5 =	sshll.u32 s28, $0x1;
	[dreg:$0x2] =	wrdreg s3  }
0xa9: {  	[dreg:$0x3] =	wrdreg s5  }
0xaa: {  	[dreg:$0x4] =	wrdreg $0xC0  }
0xab: {  	_ =	task [dreg:s7], $0x5FFFF  }
0xac: {  	[dreg:$0x1] =	wrdreg $0xFFFFFFFF  }
0xad: {  	[dreg:$0x0] =	wrdreg $0x60  }
0xae: {  	[dreg:$0x2] =	wrdreg s24  }
0xaf: {  	[dreg:$0x3] =	wrdreg s2  }
0xb0: {  	[dreg:$0x4] =	wrdreg $0x90000  }
0xb1: {  	[dreg:$0x5] =	wrdreg $0x130000  }
0xb2: {  	[dreg:$0x6] =	wrdreg $0x9  }
0xb3: {  	_ =	task.clear_ibuf [dreg:s7], $0x7FFFF;
	_ =	strace $0x9000004C  }
0xb4: {  	s29 =	simm.s32 $0x9;
	_ =	strace $0x8000004E  }
0xb5: {  	_ =	swait.ge [sflag:s29], $0x1  }
0xb6: {  	[sflag:s29] =	ssyncadd.s32 $0xFFFFFFFF  }
0xb7: {  	_ =	strace $0x9000004E  }
0xb8: {  	_ =	sfence  }
0xb9: {  	s30 =	sld [smem:$0x0];
	_ =	sdelay $0x2  }
0xba: {  	s31 =	sshll.u32 s1, $0xD;
	s1 =	sshrl.u32 s1, $0x2  }
0xbb: {  	s3 =	sand.u32 $0x4000, s31;
	s1 =	sadd.s32 s1, s30  }
0xbc: {  	s0 =	sor.u32 s3, s0;
	s1 =	sshll.u32 s1, $0x11  }
0xbd: {  	s0 =	sor.u32 s1, s0  }
0xbe: {  	s0 =	sadd.s32 $0x8F2B, s0  }
0xbf: {  	[sflag:s0] =	ssyncadd.remote.s32 $0x1  }
0xc0: {  	_ =	sfence.sel $0xFFFF  }
0xc1: {  	[dreg:$0x0] =	wrdreg $0xFFFFFFFF;
	(pc) =	sbr.abs _section_cstart, $3  }
0xc2: {  	[dreg:$0x1] =	wrdreg $0xFFFFFFFF  }
0xc3: {  	_ =	task.clear_ibuf [dreg:s7], $0x2FFFF;
	_ =	strace $0x9FFFFFFF  }
0xc4: {  	(tm) =	ssettm $0x7FFFFFFF  }
0xc5: {  	_ =	shalt  }
tec
execute0_lowered:
.L_overlay_start_1:
0x0: {  	(tag) =	ssettag $0x1  }
0x1: {  	s5 =	rddreg [dreg:$0x0]  }
0x2: {  	s10 =	rddreg [dreg:$0x1]  }
0x3: {  	s2 =	rddreg [dreg:$0x2]  }
0x4: {  	s0 =	srdreg.scid;
	s3 =	rddreg [dreg:$0x3]  }
0x5: {  	s1 =	stileid.u32;
	s4 =	simm.s32 $0x0;
	s17 =	simm.s32 $0x1  }
0x6: {  	s18 =	simm.s32 $0x80;
	s19 =	simm.s32 $0x5000;
	s20 =	simm.s32 $0x7000  }
0x7: {  	s21 =	simm.s32 $0x2;
	s22 =	simm.s32 $0x3;
	s23 =	simm.s32 $0x4F00  }
0x8: {  	s24 =	simm.s32 $0x4F80;
	s6 =	sand.u32 $0x1, s0;
	s0 =	rddreg [dreg:$0x4]  }
0x9: {  	s25 =	simm.s32 $0x0;
	s8 =	smul.u32 $0xA000, s1;
	[smem:$0x7FF] =	sst s4  }
0xa: {  	s9 =	sadd.s32 $0x3200, s5;
	s30 =	smul.u32 $0x5000, s1;
	s31 =	sshll.u32 s1, $0x6  }
0xb: {  	s7 =	smul.u32 $0xA0000, s6;
	_ =	strace $0x8000004D;
	s6 =	ssub.s32 $0x2, s6  }
0xc: {  	s29 =	sshrl.u32 s6, $0x1;
	s13 =	sadd.s32 s8, s2;
	s14 =	sshrl.u32 s30, $0x3  }
0xd: {  	s15 =	sadd.s32 s8, s3;
	s7 =	sadd.s32 s8, s7;
	s12 =	ssub.s32 s6, s29  }
0xe: {  	s6 =	sor.u32 $0x1C04, s31;
	s16 =	sadd.s32 $0x500, s14;
	s8 =	sadd.s32 s10, s14  }
0xf: {  	s13 =	sshrl.u32 s13, $0x3;
	s15 =	sshrl.u32 s15, $0x3;
	s7 =	sshrl.u32 s7, $0x3  }
0x10: {  	s10 =	sadd.s32 s10, s16;
	s12 =	smax.u32 s12, $0x1;
	s11 =	sadd.s32 s7, s5  }
0x11: {  	s7 =	sadd.s32 s9, s14;
	s9 =	sadd.s32 s9, s16;
	s14 =	simm.s32 $0x4  }
0x12: {  	s16 =	simm.s32 $0x2800;
	s5 =	sadd.s32 $0xD200, s11;
	s11 =	sadd.s32 $0x35200, s11  }
.LBB2_1:
0x13: {  	[spmem:s13], [sflag:s6] =	dma.local [hbm:s5], $0x1400  }
0x14: {  	_ =	swait.ge [sflag:s14], $0x1400  }
0x15: {  	[sflag:s14] =	ssyncset.done $0x0  }
0x16: {  	[sflag:s14] =	ssyncadd.s32 $0xFFFFEC00  }
0x17: {  	[spmem:s15], [sflag:s6] =	dma.local [hbm:s5], $0x1400  }
0x18: {  	_ =	swait.ge [sflag:s14], $0x1400  }
0x19: {  	[sflag:s14] =	ssyncset.done $0x0  }
0x1a: {  	[sflag:s14] =	ssyncadd.s32 $0xFFFFEC00  }
0x1b: {  	[bflag:$0x0] =	sbarrier.arrive $0xFFFF  }
0x1c: {  	[tilespmem:s4], [sflag:$0x1] =	stream.linear.gather [hbm4b:s7+s4], $0x2800, $0x38;
	[tilespmem:$0x1D000] =	vst v63  }
0x1d: {  	_ = 	snop  }
0x1e: {  	[tilespmem:s16], [sflag:$0x1] =	stream.linear.gather [hbm4b:s8+s4], $0x2800, $0x38;
	[tilespmem:$0x1D000] =	vst v63  }
0x1f: {  	_ =	swait.ge [sflag:s17], $0x2800  }
0x20: {  	[sflag:s17] =	ssyncset.done $0x0  }
0x21: {  	[sflag:s17] =	ssyncadd.s32 $0xFFFFD800  }
0x22: {  	_ =	swait.ge [sflag:s17], $0x2800  }
0x23: {  	[sflag:s17] =	ssyncset.done $0x0  }
0x24: {  	[sflag:s17] =	ssyncadd.s32 $0xFFFFD800  }
0x25: {  	[tilespmem:s19], [sflag:$0x2] =	stream.indirect.gather [spmem:s2], $0x40, s4, s18, $0xb8;
	[tilespmem:$0x1D000] =	vst v63  }
0x26: {  	_ = 	snop  }
0x27: {  	[tilespmem:s20], [sflag:$0x3] =	stream.indirect.gather [spmem:s2], $0x40, s18, s18, $0xb8;
	[tilespmem:$0x1D000] =	vst v63  }
0x28: {  	_ =	swait.ge [sflag:s21], $0x2000  }
0x29: {  	[sflag:s21] =	ssyncset.done $0x0  }
0x2a: {  	s26 =	simm.s32 $0x2800;
	[sflag:s21] =	ssyncadd.s32 $0xFFFFE000  }
0x2b: {  	[spmem:s3] =	stream.indirect.scatter.add.f32 [tilespmem:s19], [sflag:$0x4], $0x40, s26, s18, $0xb8;
	[tilespmem:$0x1D000] =	vst v63  }
0x2c: {  	_ =	swait.ge [sflag:s14], $0x2000  }
0x2d: {  	[sflag:s14] =	ssyncset.done $0x0  }
0x2e: {  	s30 =	simm.s32 $0x100;
	[sflag:s14] =	ssyncadd.s32 $0xFFFFE000  }
0x2f: {  	[tilespmem:s19], [sflag:$0x2] =	stream.indirect.gather [spmem:s2], $0x40, s30, s18, $0xb8;
	[tilespmem:$0x1D000] =	vst v63  }
0x30: {  	_ =	swait.ge [sflag:s22], $0x2000  }
0x31: {  	[sflag:s22] =	ssyncset.done $0x0  }
0x32: {  	s31 =	simm.s32 $0x2880;
	[sflag:s22] =	ssyncadd.s32 $0xFFFFE000  }
0x33: {  	[spmem:s3] =	stream.indirect.scatter.add.f32 [tilespmem:s20], [sflag:$0x4], $0x40, s31, s18, $0xb8;
	[tilespmem:$0x1D000] =	vst v63  }
0x34: {  	_ =	swait.ge [sflag:s14], $0x2000  }
0x35: {  	[sflag:s14] =	ssyncset.done $0x0  }
0x36: {  	s28 =	simm.s32 $0x180;
	s26 =	simm.s32 $0x400;
	[sflag:s14] =	ssyncadd.s32 $0xFFFFE000  }
.LBB2_2:
0x37: {  	[tilespmem:s20], [sflag:$0x3] =	stream.indirect.gather [spmem:s2], $0x40, s28, s18, $0xb8;
	[tilespmem:$0x1D000] =	vst v63  }
0x38: {  	s28 =	smov.u32 s26  }
0x39: {  	p0 =	sne.s32 s26, $0x9800;
	s26 =	sadd.s32 $0x400, s26;
	_ =	swait.ge [sflag:s21], $0x2000  }
0x3a: {  	s28 =	sshra.s32 s28, $0x2;
	[sflag:s21] =	ssyncset.done $0x0  }
0x3b: {  	s29 =	sadd.s32 $0x2800, s28;
	[sflag:s21] =	ssyncadd.s32 $0xFFFFE000  }
0x3c: {  	[spmem:s3] =	stream.indirect.scatter.add.f32 [tilespmem:s19], [sflag:$0x4], $0x40, s29, s18, $0xb8;
	[tilespmem:$0x1D000] =	vst v63  }
0x3d: {  	_ =	swait.ge [sflag:s14], $0x2000  }
0x3e: {  	[sflag:s14] =	ssyncset.done $0x0  }
0x3f: {  	s29 =	sadd.s32 $0x100, s28;
	[sflag:s14] =	ssyncadd.s32 $0xFFFFE000  }
0x40: {  	[tilespmem:s19], [sflag:$0x2] =	stream.indirect.gather [spmem:s2], $0x40, s29, s18, $0xb8;
	[tilespmem:$0x1D000] =	vst v63  }
0x41: {  	_ =	swait.ge [sflag:s22], $0x2000  }
0x42: {  	[sflag:s22] =	ssyncset.done $0x0  }
.Ltmp0:
0x43: {  	s29 =	sadd.s32 $0x2880, s28;
	[sflag:s22] =	ssyncadd.s32 $0xFFFFE000;
	(pc) =	sbr.rel @p0 .LBB2_2-.Ltmp0, $4  }
0x44: {  	[spmem:s3] =	stream.indirect.scatter.add.f32 [tilespmem:s20], [sflag:$0x4], $0x40, s29, s18, $0xb8;
	[tilespmem:$0x1D000] =	vst v63  }
0x45: {  	_ =	swait.ge [sflag:s14], $0x2000  }
0x46: {  	[sflag:s14] =	ssyncset.done $0x0  }
0x47: {  	s28 =	sadd.s32 $0x180, s28;
	[sflag:s14] =	ssyncadd.s32 $0xFFFFE000  }
0x48: {  	[tilespmem:s20], [sflag:$0x3] =	stream.indirect.gather [spmem:s2], $0x40, s28, s18, $0xb8;
	[tilespmem:$0x1D000] =	vst v63  }
0x49: {  	_ =	swait.ge [sflag:s21], $0x2000  }
0x4a: {  	[sflag:s21] =	ssyncset.done $0x0  }
0x4b: {  	[sflag:s21] =	ssyncadd.s32 $0xFFFFE000  }
0x4c: {  	[spmem:s3] =	stream.indirect.scatter.add.f32 [tilespmem:s19], [sflag:$0x4], $0x40, s23, s18, $0xb8;
	[tilespmem:$0x1D000] =	vst v63  }
0x4d: {  	_ =	swait.ge [sflag:s14], $0x2000  }
0x4e: {  	[sflag:s14] =	ssyncset.done $0x0  }
0x4f: {  	[sflag:s14] =	ssyncadd.s32 $0xFFFFE000  }
0x50: {  	_ =	swait.ge [sflag:s22], $0x2000  }
0x51: {  	[sflag:s22] =	ssyncset.done $0x0  }
0x52: {  	[sflag:s22] =	ssyncadd.s32 $0xFFFFE000  }
0x53: {  	[spmem:s3] =	stream.indirect.scatter.add.f32 [tilespmem:s20], [sflag:$0x4], $0x40, s24, s18, $0xb8;
	[tilespmem:$0x1D000] =	vst v63  }
0x54: {  	_ =	swait.ge [sflag:s14], $0x2000  }
0x55: {  	[sflag:s14] =	ssyncset.done $0x0  }
0x56: {  	s26 =	simm.s32 $0x0;
	[sflag:s14] =	ssyncadd.s32 $0xFFFFE000  }
0x57: {  	[tilespmem:s26], [sflag:$0x1] =	stream.linear.gather [hbm4b:s9+s26], $0x2800, $0x38;
	[tilespmem:$0x1D000] =	vst v63  }
0x58: {  	_ = 	snop  }
0x59: {  	[tilespmem:s16], [sflag:$0x1] =	stream.linear.gather [hbm4b:s10+s26], $0x2800, $0x38;
	[tilespmem:$0x1D000] =	vst v63  }
0x5a: {  	_ =	swait.ge [sflag:s17], $0x2800  }
0x5b: {  	[sflag:s17] =	ssyncset.done $0x0  }
0x5c: {  	[sflag:s17] =	ssyncadd.s32 $0xFFFFD800  }
0x5d: {  	_ =	swait.ge [sflag:s17], $0x2800  }
0x5e: {  	[sflag:s17] =	ssyncset.done $0x0  }
0x5f: {  	[sflag:s17] =	ssyncadd.s32 $0xFFFFD800  }
0x60: {  	[tilespmem:s19], [sflag:$0x2] =	stream.indirect.gather [spmem:s2], $0x40, s26, s18, $0xb8;
	[tilespmem:$0x1D000] =	vst v63  }
0x61: {  	_ = 	snop  }
0x62: {  	[tilespmem:s20], [sflag:$0x3] =	stream.indirect.gather [spmem:s2], $0x40, s18, s18, $0xb8;
	[tilespmem:$0x1D000] =	vst v63  }
0x63: {  	_ =	swait.ge [sflag:s21], $0x2000  }
0x64: {  	[sflag:s21] =	ssyncset.done $0x0  }
0x65: {  	s29 =	simm.s32 $0x2800;
	[sflag:s21] =	ssyncadd.s32 $0xFFFFE000  }
0x66: {  	[spmem:s3] =	stream.indirect.scatter.add.f32 [tilespmem:s19], [sflag:$0x4], $0x40, s29, s18, $0xb8;
	[tilespmem:$0x1D000] =	vst v63  }
0x67: {  	_ =	swait.ge [sflag:s14], $0x2000  }
0x68: {  	[sflag:s14] =	ssyncset.done $0x0  }
0x69: {  	s30 =	simm.s32 $0x100;
	[sflag:s14] =	ssyncadd.s32 $0xFFFFE000  }
0x6a: {  	[tilespmem:s19], [sflag:$0x2] =	stream.indirect.gather [spmem:s2], $0x40, s30, s18, $0xb8;
	[tilespmem:$0x1D000] =	vst v63  }
0x6b: {  	_ =	swait.ge [sflag:s22], $0x2000  }
0x6c: {  	[sflag:s22] =	ssyncset.done $0x0  }
0x6d: {  	s31 =	simm.s32 $0x2880;
	[sflag:s22] =	ssyncadd.s32 $0xFFFFE000  }
0x6e: {  	[spmem:s3] =	stream.indirect.scatter.add.f32 [tilespmem:s20], [sflag:$0x4], $0x40, s31, s18, $0xb8;
	[tilespmem:$0x1D000] =	vst v63  }
0x6f: {  	_ =	swait.ge [sflag:s14], $0x2000  }
0x70: {  	[sflag:s14] =	ssyncset.done $0x0  }
0x71: {  	s28 =	simm.s32 $0x180;
	s26 =	simm.s32 $0x400;
	[sflag:s14] =	ssyncadd.s32 $0xFFFFE000  }
.LBB2_4:
0x72: {  	[tilespmem:s20], [sflag:$0x3] =	stream.indirect.gather [spmem:s2], $0x40, s28, s18, $0xb8;
	[tilespmem:$0x1D000] =	vst v63  }
0x73: {  	s28 =	smov.u32 s26  }
0x74: {  	p0 =	sne.s32 s26, $0x9800;
	s26 =	sadd.s32 $0x400, s26;
	_ =	swait.ge [sflag:s21], $0x2000  }
0x75: {  	s28 =	sshra.s32 s28, $0x2;
	[sflag:s21] =	ssyncset.done $0x0  }
0x76: {  	s29 =	sadd.s32 $0x2800, s28;
	[sflag:s21] =	ssyncadd.s32 $0xFFFFE000  }
0x77: {  	[spmem:s3] =	stream.indirect.scatter.add.f32 [tilespmem:s19], [sflag:$0x4], $0x40, s29, s18, $0xb8;
	[tilespmem:$0x1D000] =	vst v63  }
0x78: {  	_ =	swait.ge [sflag:s14], $0x2000  }
0x79: {  	[sflag:s14] =	ssyncset.done $0x0  }
0x7a: {  	s29 =	sadd.s32 $0x100, s28;
	[sflag:s14] =	ssyncadd.s32 $0xFFFFE000  }
0x7b: {  	[tilespmem:s19], [sflag:$0x2] =	stream.indirect.gather [spmem:s2], $0x40, s29, s18, $0xb8;
	[tilespmem:$0x1D000] =	vst v63  }
0x7c: {  	_ =	swait.ge [sflag:s22], $0x2000  }
0x7d: {  	[sflag:s22] =	ssyncset.done $0x0  }
.Ltmp1:
0x7e: {  	s29 =	sadd.s32 $0x2880, s28;
	[sflag:s22] =	ssyncadd.s32 $0xFFFFE000;
	(pc) =	sbr.rel @p0 .LBB2_4-.Ltmp1, $4  }
0x7f: {  	[spmem:s3] =	stream.indirect.scatter.add.f32 [tilespmem:s20], [sflag:$0x4], $0x40, s29, s18, $0xb8;
	[tilespmem:$0x1D000] =	vst v63  }
0x80: {  	_ =	swait.ge [sflag:s14], $0x2000  }
0x81: {  	[sflag:s14] =	ssyncset.done $0x0  }
0x82: {  	s28 =	sadd.s32 $0x180, s28;
	[sflag:s14] =	ssyncadd.s32 $0xFFFFE000  }
0x83: {  	[tilespmem:s20], [sflag:$0x3] =	stream.indirect.gather [spmem:s2], $0x40, s28, s18, $0xb8;
	[tilespmem:$0x1D000] =	vst v63  }
0x84: {  	_ =	swait.ge [sflag:s21], $0x2000  }
0x85: {  	[sflag:s21] =	ssyncset.done $0x0  }
0x86: {  	[sflag:s21] =	ssyncadd.s32 $0xFFFFE000  }
0x87: {  	[spmem:s3] =	stream.indirect.scatter.add.f32 [tilespmem:s19], [sflag:$0x4], $0x40, s23, s18, $0xb8;
	[tilespmem:$0x1D000] =	vst v63  }
0x88: {  	_ =	swait.ge [sflag:s14], $0x2000  }
0x89: {  	[sflag:s14] =	ssyncset.done $0x0  }
0x8a: {  	[sflag:s14] =	ssyncadd.s32 $0xFFFFE000  }
0x8b: {  	_ =	swait.ge [sflag:s22], $0x2000  }
0x8c: {  	[sflag:s22] =	ssyncset.done $0x0  }
0x8d: {  	[sflag:s22] =	ssyncadd.s32 $0xFFFFE000  }
0x8e: {  	[spmem:s3] =	stream.indirect.scatter.add.f32 [tilespmem:s20], [sflag:$0x4], $0x40, s24, s18, $0xb8;
	[tilespmem:$0x1D000] =	vst v63  }
0x8f: {  	_ =	swait.ge [sflag:s14], $0x2000  }
0x90: {  	s25 =	sadd.s32 $0x1, s25;
	[sflag:s14] =	ssyncset.done $0x0  }
0x91: {  	p0 =	sne.s32 s25, s12;
	[sflag:s14] =	ssyncadd.s32 $0xFFFFE000  }
.Ltmp2:
0x92: {  	[bflag:$0x0] =	sbarrier.arrive $0xFFFF;
	(pc) =	sbr.rel @p0 .LBB2_1-.Ltmp2, $4  }
0x93: {  	[hbm:s11], [sflag:s6] =	dma.local [spmem:s15], $0x1400  }
0x94: {  	_ =	swait.ge [sflag:s14], $0x1400  }
0x95: {  	[sflag:s14] =	ssyncset.done $0x0  }
0x96: {  	[sflag:s14] =	ssyncadd.s32 $0xFFFFEC00  }
0x97: {  	_ =	sfence.sel $0x180000  }
0x98: {  	[bflag:$0x0] =	sbarrier.arrive $0xFFFF  }
0x99: {  	p0 =	sne.s32 s1, $0x0;
	_ =	strace $0x9000004D  }
0x9a: {  	s0 =	sadd.s32 @!p0 $0x100000, s0;
	[bflag:$0x2] =	sbarrier.arrive $0xFFFF  }
0x9b: {  	[sflag:s0] =	ssyncadd.tile.s32 @!p0 $0x1;
	_ =	shalt  }
.Lfunc_end2:
_tile_overlayer_lowered:
.L_overlay_start_2:
0x9c: {  	(tag) =	ssettag $0x2  }
0x9d: {  	s0 =	rddreg [dreg:$0x0];
	s2 =	stileid.u32  }
0x9e: {  	s1 =	rddreg [dreg:$0x1];
	p0 =	sne.s32 s2, $0x0  }
0x9f: {  	s3 =	rddreg [dreg:$0x2];
	[bflag:$0x3] =	sbarrier.arrive $0xFFFF;
	s2 =	simm.s32 @!p0 $0x1C04  }
0xa0: {  	[timem:s3], [sflag:s2] =	dma.local @!p0 [hbm:s0], s1  }
0xa1: {  	s0 =	simm.s32 @!p0 $0x4  }
0xa2: {  	_ =	swait.ge @!p0 [sflag:s0], s1  }
0xa3: {  	s1 =	ssub.s32 @!p0 $0x0, s1;
	[sflag:s0] =	ssyncset.done @!p0 $0x0  }
0xa4: {  	[sflag:s0] =	ssyncadd.s32 @!p0 s1  }
0xa5: {  	[bflag:$0x3] =	sbarrier.arrive $0xFFFF  }
0xa6: {  	_ =	shalt  }

// kernel: kernel.9.cloned.1.call-start
scs
__scs_entry_jumppad:
0x0: {  	(pc) =	sbr.rel $0x88, $3  }
0x1: {  	(tag) =	ssettag $0x0;
	lr =	simm.s32 $0x1  }
0x2: {  	[smem:$0x3F97] =	sst lr;
	_ =	strace $0xD0000000  }
0x3: {  	_ = 	snop  }
0x4: {  	_ = 	snop  }
0x5: {  	_ = 	snop  }
0x6: {  	_ = 	snop  }
0x7: {  	_ = 	snop  }
__scs_overlays_trampoline_lowered:
0x8: {  	[smem:$0x3FA6] =	sst s0  }
0x9: {  	[smem:$0x3FA7] =	sst s1  }
0xa: {  	[smem:$0x3FA8] =	sst s2  }
0xb: {  	[smem:$0x3FA9] =	sst s3  }
0xc: {  	[smem:$0x3FAA] =	sst s4  }
0xd: {  	[smem:$0x3FAB] =	sst s5  }
0xe: {  	[smem:$0x3FAC] =	sst s6  }
0xf: {  	[smem:$0x3FAD] =	sst s7  }
0x10: {  	[smem:$0x3FAE] =	sst s8  }
0x11: {  	[smem:$0x3FAF] =	sst s9;
	s0 =	simm.s32 @!p0 $0x0  }
0x12: {  	s1 =	sld [smem:$0x3F95];
	s0 =	simm.s32 @p0 $0x1  }
0x13: {  	[smem:$0x3FB0] =	sst s0;
	s0 =	simm.s32 @!p1 $0x0  }
0x14: {  	s2 =	sld [smem:$0x3F94];
	s0 =	simm.s32 @p1 $0x1  }
0x15: {  	[smem:$0x3FB1] =	sst s0;
	s0 =	simm.s32 @!p2 $0x0  }
0x16: {  	s3 =	sld [smem:$0x3FDB];
	s0 =	simm.s32 @p2 $0x1  }
0x17: {  	s4 =	simm.s32 $0x1BF5;
	[smem:$0x3FB3] =	sst s0  }
0x18: {  	s0 =	sld [smem:$0x3F96];
	_ =	swait.ge [sflag:s4], $0x0  }
0x19: {  	s7 =	sld [smem:$0x3F97]  }
0x1a: {  	s8 =	sadd.s32 $0xFFFFE003, lr  }
0x1b: {  	s9 =	sadd.s32 $0xFFFFFEF7, lr;
	s5 =	simm.s32 $0xFFFFFFFF;
	p2 =	slt.u32 s8, $0xFFFFF086  }
0x1c: {  	p1 =	slt.u32 s9, $0xF7A;
	s5 =	simm.s32 @!p2 $0x0  }
0x1d: {  	s5 =	simm.s32 @p1 $0x1;
	p0 =	seq.s32 s7, s2  }
0x1e: {  	s7 =	smul.u32 @!p0 $0xF7A, s2;
	p2 =	seq.s32 @!p0 s5, $0x0  }
0x1f: {  	s9 =	smul.u32 $0xF7A, s1;
	s8 =	simm.s32 @!p0 $0x1BF5;
	p2 =	por !p2, p0  }
0x20: {  	[sflag:s8] =	ssyncset.s32 @!p0 $0xFFFFF086;
	s6 =	sadd.s32 @!p0 s3, s7;
	s7 =	simm.s32 @!p0 $0x108  }
0x21: {  	s3 =	sadd.s32 s3, s9;
	s6 =	sadd.s32 @!p0 $0x88, s6;
	s7 =	simm.s32 @p2 $0x1082  }
0x22: {  	[simem:s7], [sflag:s8] =	dma.local @!p0 [hbm:s6], $0xF7A  }
0x23: {  	s9 =	sor.u32 $0xD0000000, s2;
	s6 =	simm.s32 $0x108;
	_ =	swait.ge @!p0 [sflag:s8], $0x0  }
0x24: {  	s3 =	sadd.s32 $0x88, s3;
	s6 =	simm.s32 @!p1 $0x1082;
	[sflag:s4] =	ssyncset.s32 $0xFFFFF086  }
0x25: {  	[simem:s6], [sflag:s4] =	dma.local [hbm:s3], $0xF7A  }
0x26: {  	[smem:$0x3F97] =	sst s1;
	(tag) =	ssettag s2;
	_ =	strace s9  }
0x27: {  	s1 =	sld [smem:$0x3FA7]  }
0x28: {  	s2 =	sld [smem:$0x3FA8]  }
0x29: {  	s4 =	sld [smem:$0x3FAA]  }
0x2a: {  	p0 =	seq.s32 s5, $0x0;
	s5 =	sld [smem:$0x3FAB]  }
0x2b: {  	s6 =	sld [smem:$0x3FAC]  }
0x2c: {  	s7 =	sld [smem:$0x3FAD]  }
0x2d: {  	s3 =	simm.s32 $0x108;
	s8 =	sld [smem:$0x3FAE]  }
0x2e: {  	s3 =	simm.s32 @!p0 $0x1082;
	s9 =	sld [smem:$0x3FAF]  }
0x2f: {  	lr =	sadd.s32 s0, s3;
	s0 =	sld [smem:$0x3FA6]  }
0x30: {  	s3 =	sld [smem:$0x3FA9]  }
0x31: {  	[smem:$0x3FB2] =	sst s10  }
0x32: {  	s10 =	sld [smem:$0x3FB0];
	_ =	sdelay $0x3  }
0x33: {  	p0 =	seq.s32 s10, $0x1;
	s10 =	sld [smem:$0x3FB2];
	_ =	sdelay $0x3  }
0x34: {  	[smem:$0x3FB2] =	sst s10  }
0x35: {  	s10 =	sld [smem:$0x3FB1];
	_ =	sdelay $0x3  }
0x36: {  	p1 =	seq.s32 s10, $0x1;
	s10 =	sld [smem:$0x3FB2];
	_ =	sdelay $0x3  }
0x37: {  	[smem:$0x3FB2] =	sst s10  }
0x38: {  	s10 =	sld [smem:$0x3FB3]  }
0x39: {  	_ = 	snop;
	(pc) =	sbr.ind lr, $3  }
0x3a: {  	_ = 	snop  }
0x3b: {  	_ = 	snop  }
0x3c: {  	p2 =	seq.s32 s10, $0x1;
	s10 =	sld [smem:$0x3FB2]  }
0x3d: {  	_ =	shalt  }
0x3e: {  	_ =	shalt  }
0x3f: {  	_ =	shalt  }
0x40: {  	_ =	shalt  }
0x41: {  	_ =	shalt  }
0x42: {  	_ =	shalt  }
0x43: {  	_ =	shalt  }
0x44: {  	_ =	shalt  }
0x45: {  	_ =	shalt  }
0x46: {  	_ =	shalt  }
0x47: {  	_ =	shalt  }
0x48: {  	_ =	shalt  }
0x49: {  	_ =	shalt  }
0x4a: {  	_ =	shalt  }
0x4b: {  	_ =	shalt  }
0x4c: {  	_ =	shalt  }
0x4d: {  	_ =	shalt  }
0x4e: {  	_ =	shalt  }
0x4f: {  	_ =	shalt  }
0x50: {  	_ =	shalt  }
0x51: {  	_ =	shalt  }
0x52: {  	_ =	shalt  }
0x53: {  	_ =	shalt  }
0x54: {  	_ =	shalt  }
0x55: {  	_ =	shalt  }
0x56: {  	_ =	shalt  }
0x57: {  	_ =	shalt  }
0x58: {  	_ =	shalt  }
0x59: {  	_ =	shalt  }
0x5a: {  	_ =	shalt  }
0x5b: {  	_ =	shalt  }
0x5c: {  	_ =	shalt  }
0x5d: {  	_ =	shalt  }
0x5e: {  	_ =	shalt  }
0x5f: {  	_ =	shalt  }
0x60: {  	_ =	shalt  }
0x61: {  	_ =	shalt  }
0x62: {  	_ =	shalt  }
0x63: {  	_ =	shalt  }
0x64: {  	_ =	shalt  }
0x65: {  	_ =	shalt  }
0x66: {  	_ =	shalt  }
0x67: {  	_ =	shalt  }
0x68: {  	_ =	shalt  }
0x69: {  	_ =	shalt  }
0x6a: {  	_ =	shalt  }
0x6b: {  	_ =	shalt  }
0x6c: {  	_ =	shalt  }
0x6d: {  	_ =	shalt  }
0x6e: {  	_ =	shalt  }
0x6f: {  	_ =	shalt  }
0x70: {  	_ =	shalt  }
0x71: {  	_ =	shalt  }
0x72: {  	_ =	shalt  }
0x73: {  	_ =	shalt  }
0x74: {  	_ =	shalt  }
0x75: {  	_ =	shalt  }
0x76: {  	_ =	shalt  }
0x77: {  	_ =	shalt  }
0x78: {  	_ =	shalt  }
0x79: {  	_ =	shalt  }
0x7a: {  	_ =	shalt  }
0x7b: {  	_ =	shalt  }
0x7c: {  	_ =	shalt  }
0x7d: {  	_ =	shalt  }
0x7e: {  	_ =	shalt  }
0x7f: {  	_ =	shalt  }
0x80: {  	_ =	shalt  }
0x81: {  	_ =	shalt  }
0x82: {  	_ =	shalt  }
0x83: {  	_ =	shalt  }
0x84: {  	_ =	shalt  }
0x85: {  	_ =	shalt  }
0x86: {  	_ =	shalt  }
0x87: {  	_ =	shalt  }
.Lfunc_end0:
.L_simem_size_0:
called_computation_lowered:
.L_overlay_start_0:
0x88: {  	s2 =	sld [smem:$0x3FD9]  }
0x89: {  	s3 =	sld [smem:$0x3FFE];
	_ =	sdelay $0x1  }
0x8a: {  	s1 =	srdreg.scid  }
0x8b: {  	s0 =	sand.u32 $0x1, s1  }
0x8c: {  	s17 =	sshll.u32 s0, $0xA;
	s2 =	sadd.s32 s3, s2  }
0x8d: {  	s2 =	sadd.s32 s2, s17  }
0x8e: {  	[smem:$0x3FBE] =	sst s2  }
0x8f: {  	_ = 	snop  }
0x90: {  	s2 =	sld [smem:$0x3FD0];
	(tm) =	ssettm $0x1  }
0x91: {  	s18 =	sld [smem:$0x3FFB];
	_ =	sdelay $0x3  }
0x92: {  	_ =	strace s18  }
0x93: {  	s3 =	sld [smem:$0x3FFC];
	_ =	sdelay $0x3  }
0x94: {  	_ =	strace s3  }
0x95: {  	s3 =	sld [smem:$0x3FFD];
	_ =	sdelay $0x3  }
0x96: {  	_ =	strace s3  }
0x97: {  	_ =	strace $0x8FFFFFFF  }
0x98: {  	s19 =	sld [smem:$0x3FDB];
	_ =	sdelay $0x1  }
0x99: {  	s4 =	simm.s32 $_scs_section_size  }
0x9a: {  	s5 =	simm.s32 $_size__tile_overlayer_lowered;
	s6 =	simm.s32 $_tile_overlayer_lowered  }
0x9b: {  	s22 =	simm.s32 $0x1BFF;
	s21 =	sshll.u32 s6, $0x1;
	s3 =	sadd.s32 s4, s19  }
0x9c: {  	s7 =	simm.s32 $0x0;
	s20 =	sshll.u32 s5, $0x1;
	s5 =	sadd.s32 s21, s3  }
0x9d: {  	[timem:s7], [sflag:s22] =	dma.local [hbm:s5], s20  }
0x9e: {  	_ =	swait.ge [sflag:s22], s20  }
0x9f: {  	s4 =	ssub.s32 $0x0, s20;
	[sflag:s22] =	ssyncset.done $0x0  }
0xa0: {  	[sflag:s22] =	ssyncadd.s32 s4;
	_ =	sdelay $0x1  }
0xa1: {  	s23 =	simm.s32 $0x1B8B  }
0xa2: {  	_ =	swait.ge [sflag:s23], $0x1  }
0xa3: {  	[sflag:s23] =	ssyncset.done $0x0  }
0xa4: {  	s25 =	simm.s32 $0x1B8E;
	s24 =	sld [smem:$0x3FFE];
	[sflag:s23] =	ssyncadd.s32 $0xFFFFFFFF  }
0xa5: {  	s26 =	simm.s32 $execute0_lowered;
	[smem:$0x3FD2] =	sst s25  }
0xa6: {  	s5 =	sshll.u32 s26, $0x1;
	_ =	strace $0x80000046;
	[dreg:$0x1] =	wrdreg $0xFFFFFFFF  }
0xa7: {  	s28 =	simm.s32 $_size_execute0_lowered;
	s3 =	sadd.s32 s3, s5;
	[dreg:$0x0] =	wrdreg $0x0  }
0xa8: {  	s5 =	sshll.u32 s28, $0x1;
	[dreg:$0x2] =	wrdreg s3  }
0xa9: {  	[dreg:$0x3] =	wrdreg s5  }
0xaa: {  	[dreg:$0x4] =	wrdreg $0xC0  }
0xab: {  	_ =	task [dreg:s7], $0x5FFFF  }
0xac: {  	[dreg:$0x1] =	wrdreg $0xFFFFFFFF  }
0xad: {  	[dreg:$0x0] =	wrdreg $0x60  }
0xae: {  	[dreg:$0x2] =	wrdreg s2  }
0xaf: {  	[dreg:$0x3] =	wrdreg s24  }
0xb0: {  	[dreg:$0x4] =	wrdreg $0x2B000  }
0xb1: {  	[dreg:$0x5] =	wrdreg $0x9  }
0xb2: {  	_ =	task.clear_ibuf [dreg:s7], $0x6FFFF;
	_ =	strace $0x90000046  }
0xb3: {  	s29 =	simm.s32 $0x9;
	_ =	strace $0x80000048  }
0xb4: {  	_ =	swait.ge [sflag:s29], $0x1  }
0xb5: {  	[sflag:s29] =	ssyncadd.s32 $0xFFFFFFFF  }
0xb6: {  	_ =	strace $0x90000048  }
0xb7: {  	_ =	sfence  }
0xb8: {  	s30 =	sld [smem:$0x0];
	_ =	sdelay $0x2  }
0xb9: {  	s31 =	sshll.u32 s1, $0xD;
	s1 =	sshrl.u32 s1, $0x2  }
0xba: {  	s3 =	sand.u32 $0x4000, s31;
	s1 =	sadd.s32 s1, s30  }
0xbb: {  	s0 =	sor.u32 s3, s0;
	s1 =	sshll.u32 s1, $0x11  }
0xbc: {  	s0 =	sor.u32 s1, s0  }
0xbd: {  	s0 =	sadd.s32 $0x8F2B, s0  }
0xbe: {  	[sflag:s0] =	ssyncadd.remote.s32 $0x1  }
0xbf: {  	_ =	sfence.sel $0xFFFF  }
0xc0: {  	[dreg:$0x0] =	wrdreg $0xFFFFFFFF;
	(pc) =	sbr.abs _section_cstart, $3  }
0xc1: {  	[dreg:$0x1] =	wrdreg $0xFFFFFFFF  }
0xc2: {  	_ =	task.clear_ibuf [dreg:s7], $0x2FFFF;
	_ =	strace $0x9FFFFFFF  }
0xc3: {  	(tm) =	ssettm $0x7FFFFFFF  }
tec
execute0_lowered:
.L_overlay_start_1:
0x0: {  	(tag) =	ssettag $0x1  }
0x1: {  	s4 =	rddreg [dreg:$0x0]  }
0x2: {  	s1 =	srdreg.scid;
	s5 =	rddreg [dreg:$0x1]  }
0x3: {  	s0 =	stileid.u32;
	s2 =	rddreg [dreg:$0x2]  }
0x4: {  	s3 =	simm.s32 $0x0;
	s11 =	simm.s32 $0x80;
	s12 =	simm.s32 $0x280  }
0x5: {  	s13 =	simm.s32 $0x2;
	s16 =	simm.s32 $0x0;
	s6 =	sand.u32 $0x1, s1  }
0x6: {  	s7 =	smul.u32 $0x280, s0;
	s1 =	rddreg [dreg:$0x3];
	s9 =	sshll.u32 s0, $0x1  }
0x7: {  	[smem:$0x7FF] =	sst s3;
	s14 =	sshll.u32 s0, $0x6;
	s8 =	smul.u32 $0x2800, s6  }
0x8: {  	s9 =	sor.u32 s6, s9;
	s6 =	ssub.s32 $0x2, s6;
	_ =	strace $0x80000047  }
0x9: {  	s9 =	smul.u32 $0x500, s9;
	s31 =	sshrl.u32 s6, $0x1;
	s8 =	sadd.s32 s7, s8  }
0xa: {  	s14 =	sor.u32 $0x1C03, s14;
	s10 =	ssub.s32 s6, s31;
	s8 =	sshrl.u32 s8, $0x3  }
0xb: {  	s4 =	sadd.s32 s4, s9;
	s9 =	simm.s32 $0x3;
	s8 =	sadd.s32 s8, s5  }
0xc: {  	s5 =	sadd.s32 s7, s2;
	s7 =	smax.u32 s10, $0x1;
	s10 =	simm.s32 $0x1  }
0xd: {  	v0 =	vimm.f32 $0.0e+00;
	v1 =	vimm.f32 $1.000000000e+00;
	s6 =	sadd.s32 $0x2800, s8;
	s8 =	simm.s32 $0x300;
	s15 =	sshrl.u32 s5, $0x3  }
.LBB2_1:
0xe: {  	[tilespmem:s8], [sflag:$0x1] =	stream.linear.gather [hbm4b:s4+s3], $0x2800, $0x38;
	[tilespmem:$0x2D80] =	vst v63  }
0xf: {  	[tilespmem:$0x0] =	vst v0  }
0x10: {  	[tilespmem:$0x10] =	vst v0  }
0x11: {  	[tilespmem:$0x20] =	vst v0  }
0x12: {  	[tilespmem:$0x30] =	vst v0  }
0x13: {  	[tilespmem:$0x40] =	vst v0  }
0x14: {  	[tilespmem:$0x50] =	vst v0  }
0x15: {  	[tilespmem:$0x60] =	vst v0  }
0x16: {  	[tilespmem:$0x70] =	vst v0  }
0x17: {  	[tilespmem:$0x80] =	vst v0  }
0x18: {  	[tilespmem:$0x90] =	vst v0  }
0x19: {  	[tilespmem:$0xA0] =	vst v0  }
0x1a: {  	[tilespmem:$0xB0] =	vst v0  }
0x1b: {  	[tilespmem:$0xC0] =	vst v0  }
0x1c: {  	[tilespmem:$0xD0] =	vst v0  }
0x1d: {  	[tilespmem:$0xE0] =	vst v0  }
0x1e: {  	[tilespmem:$0xF0] =	vst v0  }
0x1f: {  	[tilespmem:$0x100] =	vst v0  }
0x20: {  	[tilespmem:$0x110] =	vst v0  }
0x21: {  	[tilespmem:$0x120] =	vst v0  }
0x22: {  	[tilespmem:$0x130] =	vst v0  }
0x23: {  	[tilespmem:$0x140] =	vst v0  }
0x24: {  	[tilespmem:$0x150] =	vst v0  }
0x25: {  	[tilespmem:$0x160] =	vst v0  }
0x26: {  	[tilespmem:$0x170] =	vst v0  }
0x27: {  	[tilespmem:$0x180] =	vst v0  }
0x28: {  	[tilespmem:$0x190] =	vst v0  }
0x29: {  	[tilespmem:$0x1A0] =	vst v0  }
0x2a: {  	[tilespmem:$0x1B0] =	vst v0  }
0x2b: {  	[tilespmem:$0x1C0] =	vst v0  }
0x2c: {  	[tilespmem:$0x1D0] =	vst v0  }
0x2d: {  	[tilespmem:$0x1E0] =	vst v0  }
0x2e: {  	[tilespmem:$0x1F0] =	vst v0  }
0x2f: {  	[tilespmem:$0x200] =	vst v0  }
0x30: {  	[tilespmem:$0x210] =	vst v0  }
0x31: {  	[tilespmem:$0x220] =	vst v0  }
0x32: {  	[tilespmem:$0x230] =	vst v0  }
0x33: {  	[tilespmem:$0x240] =	vst v0  }
0x34: {  	[tilespmem:$0x250] =	vst v0  }
0x35: {  	[tilespmem:$0x260] =	vst v0  }
0x36: {  	[tilespmem:$0x270] =	vst v0  }
0x37: {  	[tilespmem:$0x280] =	vst v1  }
0x38: {  	[tilespmem:$0x290] =	vst v1  }
0x39: {  	[tilespmem:$0x2A0] =	vst v1  }
0x3a: {  	[tilespmem:$0x2B0] =	vst v1  }
0x3b: {  	[tilespmem:$0x2C0] =	vst v1  }
0x3c: {  	[tilespmem:$0x2D0] =	vst v1  }
0x3d: {  	[tilespmem:$0x2E0] =	vst v1  }
0x3e: {  	[tilespmem:$0x2F0] =	vst v1  }
0x3f: {  	[spmem:s5] =	stream.linear.scatter [tilespmem:s3], [sflag:$0x3], $0x280, $0x38;
	[tilespmem:$0x2D80] =	vst v63  }
0x40: {  	_ =	swait.ge [sflag:s9], $0x280  }
0x41: {  	[sflag:s9] =	ssyncset.done $0x0  }
0x42: {  	[sflag:s9] =	ssyncadd.s32 $0xFFFFFD80  }
0x43: {  	_ =	swait.ge [sflag:s10], $0x2800  }
0x44: {  	[sflag:s10] =	ssyncset.done $0x0  }
0x45: {  	[sflag:s10] =	ssyncadd.s32 $0xFFFFD800  }
0x46: {  	s17 =	simm.s32 $0x0;
	[bflag:$0x0] =	sbarrier.arrive $0xFFFF  }
.LBB2_2:
0x47: {  	p0 =	sne.s32 s17, $0x9E00  }
.Ltmp0:
0x48: {  	_ = 	snop;
	(pc) =	sbr.rel @p0 .LBB2_2-.Ltmp0, $4  }
0x49: {  	_ = 	snop  }
0x4a: {  	s18 =	sshra.s32 s17, $0x2  }
0x4b: {  	s17 =	sadd.s32 $0x200, s17;
	s18 =	sadd.s32 $0x300, s18  }
0x4c: {  	[spmem:s2] =	stream.indirect.scatter.add.f32 [tilespmem:s12], [sflag:$0x2], $0x1, s18, s11, $0xb8;
	[tilespmem:$0x2D80] =	vst v63  }
0x4d: {  	_ =	swait.ge [sflag:s13], $0x80  }
0x4e: {  	s17 =	simm.s32 $0x4F;
	[sflag:s13] =	ssyncset.done $0x0  }
.LBB2_4:
0x4f: {  	p0 =	sne.s32 s17, $0x1;
	s17 =	sadd.s32 $0xFFFFFFFF, s17;
	[sflag:s13] =	ssyncadd.s32 $0xFFFFFF80  }
.Ltmp1:
0x50: {  	(pc) =	sbr.rel @p0 .LBB2_4-.Ltmp1, $3  }
0x51: {  	_ =	sdelay $0x1  }
0x52: {  	_ =	swait.ge [sflag:s13], $0x80  }
0x53: {  	[sflag:s13] =	ssyncset.done $0x0  }
0x54: {  	s16 =	sadd.s32 $0x1, s16  }
0x55: {  	[sflag:s13] =	ssyncadd.s32 $0xFFFFFF80;
	p0 =	sne.s32 s16, s7  }
.Ltmp2:
0x56: {  	[bflag:$0x0] =	sbarrier.arrive $0xFFFF;
	(pc) =	sbr.rel @p0 .LBB2_1-.Ltmp2, $4  }
0x57: {  	[hbm:s6], [sflag:s14] =	dma.local [spmem:s15], $0x50  }
0x58: {  	_ =	swait.ge [sflag:s9], $0x50  }
0x59: {  	[sflag:s9] =	ssyncset.done $0x0  }
0x5a: {  	[sflag:s9] =	ssyncadd.s32 $0xFFFFFFB0  }
0x5b: {  	_ =	sfence.sel $0x180000  }
0x5c: {  	[bflag:$0x0] =	sbarrier.arrive $0xFFFF  }
0x5d: {  	p0 =	sne.s32 s0, $0x0;
	_ =	strace $0x90000047  }
0x5e: {  	s0 =	sadd.s32 @!p0 $0x100000, s1;
	[bflag:$0x2] =	sbarrier.arrive $0xFFFF  }
0x5f: {  	[sflag:s0] =	ssyncadd.tile.s32 @!p0 $0x1;
	_ =	shalt  }
.Lfunc_end2:
_tile_overlayer_lowered:
.L_overlay_start_2:
0x60: {  	(tag) =	ssettag $0x2  }
0x61: {  	s0 =	rddreg [dreg:$0x0];
	s2 =	stileid.u32  }
0x62: {  	s1 =	rddreg [dreg:$0x1];
	p0 =	sne.s32 s2, $0x0  }
0x63: {  	s3 =	rddreg [dreg:$0x2];
	[bflag:$0x3] =	sbarrier.arrive $0xFFFF;
	s2 =	simm.s32 @!p0 $0x1C03  }
0x64: {  	[timem:s3], [sflag:s2] =	dma.local @!p0 [hbm:s0], s1  }
0x65: {  	s0 =	simm.s32 @!p0 $0x3  }
0x66: {  	_ =	swait.ge @!p0 [sflag:s0], s1  }
0x67: {  	s1 =	ssub.s32 @!p0 $0x0, s1;
	[sflag:s0] =	ssyncset.done @!p0 $0x0  }
0x68: {  	[sflag:s0] =	ssyncadd.s32 @!p0 s1  }
0x69: {  	[bflag:$0x3] =	sbarrier.arrive $0xFFFF  }
0x6a: {  	_ =	shalt  }

</sc_bundles>
